<compile_context>
chip_gen: v7x
topology: tpu7x:2x2x1
jax: 0.10.2.dev20260603
libtpu: 0.0.44.dev20260713+nightly
codegen_flags: <defaults>
</compile_context>

<pallas_src>
import functools

import jax
import jax.numpy as jnp
from jax import lax
from jax.experimental import pallas as pl
from jax.experimental.pallas import tpu as pltpu
from jax.experimental.pallas import tpu_sc as plsc

_NC = 2
_NS = 16
_NW = _NC * _NS


def _emb_gather(V, D, N, F, chn):
    n_per_w = N // _NW
    nch = n_per_w // chn
    mesh = plsc.VectorSubcoreMesh(core_axis_name="c", subcore_axis_name="s")

    @functools.partial(
        pl.kernel,
        mesh=mesh,
        out_type=jax.ShapeDtypeStruct((N, F, D), jnp.float32),
        compiler_params=pltpu.CompilerParams(use_tc_tiling_on_sc=False),
        scratch_types=[
            pltpu.VMEM((chn, F), jnp.int32),
            pltpu.VMEM((chn, F), jnp.int32),
            pltpu.VMEM((chn, F, D), jnp.float32),
            pltpu.VMEM((chn, F, D), jnp.float32),
            pltpu.SemaphoreType.DMA,
            pltpu.SemaphoreType.DMA,
            pltpu.SemaphoreType.DMA,
            pltpu.SemaphoreType.DMA,
        ],
    )
    def body(table, idx2, out, i0, i1, r0, r1, g0, g1, w0, w1):
        wid = lax.axis_index("s") * _NC + lax.axis_index("c")
        base = wid * n_per_w
        idx_bufs = (i0, i1)
        row_bufs = (r0, r1)
        gsems = (g0, g1)
        wsems = (w0, w1)

        def fire(s):
            def one(a, _):
                pltpu.async_copy(
                    table.at[idx_bufs[s].at[a]], row_bufs[s].at[a], gsems[s])
                return 0
            lax.fori_loop(0, chn, one, 0)

        def drain(s):
            pltpu.make_async_copy(
                out.at[pl.ds(0, chn)], row_bufs[s], gsems[s]).wait()

        writes = [None] * nch
        pltpu.sync_copy(idx2.at[pl.ds(base, chn)], idx_bufs[0])
        fire(0)
        for c in range(1, nch + 1):
            s = c & 1
            if c < nch:
                pltpu.sync_copy(
                    idx2.at[pl.ds(base + c * chn, chn)], idx_bufs[s])
                if c >= 2:
                    writes[c - 2].wait()
                fire(s)
            p = (c - 1) & 1
            drain(p)
            writes[c - 1] = pltpu.async_copy(
                row_bufs[p], out.at[pl.ds(base + (c - 1) * chn, chn)],
                wsems[p])
        writes[nch - 2].wait()
        writes[nch - 1].wait()

    return body


def kernel(weights, indices):
    N, F = indices.shape
    V, D = weights.shape
    idx = indices.astype(jnp.int32)
    return _emb_gather(V, D, N, F, 64)(weights, idx)

# --- scband reference (transcript-rebuilt; emitter-appended) ---
"""Pipeline reference for scband-embedding-50525995270534 (READ-ONLY COPY).

The authoritative reference and input builder live on the scoring server;
editing this copy changes nothing except your own understanding.
"""

import jax, jax.numpy as jnp
import numpy as np

NUM_EMBEDDINGS = 1000000
EMBEDDING_DIM = 32
BATCH = 16384
N_FIELDS = 26


def setup_inputs(seed: int = 0) -> dict:
    key = jax.random.key(seed)
    k_w, k_idx = jax.random.split(key)
    weights = jax.random.uniform(
        k_w, (NUM_EMBEDDINGS, EMBEDDING_DIM), minval=-0.1, maxval=0.1,
        dtype=jnp.float32)
    indices = jax.random.randint(
        k_idx, (BATCH, N_FIELDS), 0, NUM_EMBEDDINGS, dtype=jnp.int64
        if jax.config.jax_enable_x64 else jnp.int32)
    return {"weights": weights, "indices": indices}


def reference(weights, indices):
    # Faithful translation of Embedding.__call__: self.weights[indices]
    return weights[indices]

if __name__ == "__main__":
    import jax
    _d = setup_inputs()
    print(jax.jit(kernel)(*tuple(_d.values())))

</pallas_src>

<mosaic_0001>
#map = affine_map<(d0, d1) -> (0, 0)>
#map1 = affine_map<(d0, d1) -> (0, 0, 0)>
module attributes {stable_mosaic.version = 14 : i64} {
  func.func @body(%arg0: i32, %arg1: i32, %arg2: memref<1000000x32xf32, #tpu.memory_space<hbm>>, %arg3: memref<16384x26xi32, #tpu.memory_space<hbm>>, %arg4: memref<16384x26x32xf32, #tpu.memory_space<hbm>>, %arg5: memref<64x26xi32, #tpu.memory_space<vmem>>, %arg6: memref<64x26xi32, #tpu.memory_space<vmem>>, %arg7: memref<64x26x32xf32, #tpu.memory_space<vmem>>, %arg8: memref<64x26x32xf32, #tpu.memory_space<vmem>>, %arg9: memref<!tpu.dma_semaphore, #tpu.memory_space<semaphore_mem>>, %arg10: memref<!tpu.dma_semaphore, #tpu.memory_space<semaphore_mem>>, %arg11: memref<!tpu.dma_semaphore, #tpu.memory_space<semaphore_mem>>, %arg12: memref<!tpu.dma_semaphore, #tpu.memory_space<semaphore_mem>>) attributes {dimension_semantics = [#tpu.dimension_semantics<core_parallel>, #tpu.dimension_semantics<subcore_parallel>], iteration_bounds = array<i64: 2, 16>, scalar_prefetch = 0 : i64, scratch_operands = 8 : i64, tpu.core_type = #tpu.core_type<sc_vector_subcore>, window_params = [{transform_indices = #map}, {transform_indices = #map}, {transform_indices = #map1}]} {
    %mul3A = arith.constant 2 : i32
    %mul3A_0 = arith.muli %arg1, %mul3A : i32
    %add3A = arith.addi %mul3A_0, %arg0 : i32
    %mul3A_1 = arith.constant 512 : i32
    %mul3A_2 = arith.muli %add3A, %mul3A_1 : i32
    "tpu.region"() ({
      %run_scoped3A = tpu.sem_alloc : memref<!tpu.dma_semaphore, #tpu.memory_space<semaphore_mem>>
      %dma_start3A_246 = arith.constant 0 : i32
      %dma_start3A_247 = tpu.memref_slice %arg3[%mul3A_2, %dma_start3A_246] : memref<16384x26xi32, #tpu.memory_space<hbm>> -> memref<64x26xi32, #tpu.memory_space<hbm>>
      %dma_start3A_248 = arith.constant 0 : i32
      %dma_start3A_249 = tpu.memref_slice %arg3[%mul3A_2, %dma_start3A_248] : memref<16384x26xi32, #tpu.memory_space<hbm>> -> memref<64x26xi32, #tpu.memory_space<hbm>>
      tpu.enqueue_dma source(%dma_start3A_249 : memref<64x26xi32, #tpu.memory_space<hbm>>) target(%arg5 : memref<64x26xi32, #tpu.memory_space<vmem>>) target_semaphore(%run_scoped3A : memref<!tpu.dma_semaphore, #tpu.memory_space<semaphore_mem>>)
      %dma_wait3A_250 = arith.constant 0 : i32
      %dma_wait3A_251 = tpu.memref_slice %arg3[%mul3A_2, %dma_wait3A_250] : memref<16384x26xi32, #tpu.memory_space<hbm>> -> memref<64x26xi32, #tpu.memory_space<hbm>>
      %dma_wait3A_252 = arith.constant 0 : i32
      %dma_wait3A_253 = tpu.memref_slice %arg3[%mul3A_2, %dma_wait3A_252] : memref<16384x26xi32, #tpu.memory_space<hbm>> -> memref<64x26xi32, #tpu.memory_space<hbm>>
      tpu.wait_dma2 semaphore(%run_scoped3A : memref<!tpu.dma_semaphore, #tpu.memory_space<semaphore_mem>>) src(%dma_wait3A_253 : memref<64x26xi32, #tpu.memory_space<hbm>>) dst(%arg5 : memref<64x26xi32, #tpu.memory_space<vmem>>)
      tpu.yield
    }) : () -> ()
    %scan3A = arith.constant 0 : i32
    %scan3A_3 = arith.constant 0 : i32
    %scan3A_4 = arith.constant 64 : i32
    %scan3A_5 = arith.addi %scan3A_3, %scan3A_4 : i32
    %scan3A_6 = arith.constant 1 : i32
    %scan3A_7 = scf.for %scan3A_246 = %scan3A_3 to %scan3A_5 step %scan3A_6 iter_args(%scan3A_247 = %scan3A) -> (i32)  : i32 {
      %dma_start3A_248 = arith.constant 0 : i32
      %dma_start3A_249 = arith.constant 0 : i32
      %dma_start3A_250 = tpu.memref_slice %arg7[%scan3A_246, %dma_start3A_248, %dma_start3A_249] : memref<64x26x32xf32, #tpu.memory_space<vmem>> -> memref<1x26x32xf32, #tpu.memory_space<vmem>>
      %dma_start3A_251 = tpu.memref_squeeze %dma_start3A_250 : memref<1x26x32xf32, #tpu.memory_space<vmem>> -> memref<26x32xf32, #tpu.memory_space<vmem>>
      %dma_start3A_252 = arith.constant 0 : i32
      %dma_start3A_253 = tpu.memref_slice %arg5[%scan3A_246, %dma_start3A_252] : memref<64x26xi32, #tpu.memory_space<vmem>> -> memref<1x26xi32, #tpu.memory_space<vmem>>
      %dma_start3A_254 = tpu.memref_squeeze %dma_start3A_253 : memref<1x26xi32, #tpu.memory_space<vmem>> -> memref<26xi32, #tpu.memory_space<vmem>>
      %dma_start3A_255 = arith.constant 0 : i32
      %dma_start3A_256 = arith.constant 0 : i32
      %dma_start3A_257 = tpu.memref_slice %arg2[%dma_start3A_255, %dma_start3A_256] : memref<1000000x32xf32, #tpu.memory_space<hbm>> -> memref<1000000x32xf32, #tpu.memory_space<hbm>>
      tpu.enqueue_indirect_dma source(%dma_start3A_257 : memref<1000000x32xf32, #tpu.memory_space<hbm>>) target(%dma_start3A_251 : memref<26x32xf32, #tpu.memory_space<vmem>>) offsets(%dma_start3A_254 : memref<26xi32, #tpu.memory_space<vmem>>) semaphore(%arg9 : memref<!tpu.dma_semaphore, #tpu.memory_space<semaphore_mem>>)
      %scan3A_258 = arith.constant 0 : i32
      scf.yield %scan3A_258 : i32
    }
    %scan3A_8 = arith.constant 64 : i32
    %add3A_9 = arith.constant 64 : i32
    %add3A_10 = arith.addi %mul3A_2, %add3A_9 : i32
    "tpu.region"() ({
      %run_scoped3A = tpu.sem_alloc : memref<!tpu.dma_semaphore, #tpu.memory_space<semaphore_mem>>
      %dma_start3A_246 = arith.constant 0 : i32
      %dma_start3A_247 = tpu.memref_slice %arg3[%add3A_10, %dma_start3A_246] : memref<16384x26xi32, #tpu.memory_space<hbm>> -> memref<64x26xi32, #tpu.memory_space<hbm>>
      %dma_start3A_248 = arith.constant 0 : i32
      %dma_start3A_249 = tpu.memref_slice %arg3[%add3A_10, %dma_start3A_248] : memref<16384x26xi32, #tpu.memory_space<hbm>> -> memref<64x26xi32, #tpu.memory_space<hbm>>
      tpu.enqueue_dma source(%dma_start3A_249 : memref<64x26xi32, #tpu.memory_space<hbm>>) target(%arg6 : memref<64x26xi32, #tpu.memory_space<vmem>>) target_semaphore(%run_scoped3A : memref<!tpu.dma_semaphore, #tpu.memory_space<semaphore_mem>>)
      %dma_wait3A_250 = arith.constant 0 : i32
      %dma_wait3A_251 = tpu.memref_slice %arg3[%add3A_10, %dma_wait3A_250] : memref<16384x26xi32, #tpu.memory_space<hbm>> -> memref<64x26xi32, #tpu.memory_space<hbm>>
      %dma_wait3A_252 = arith.constant 0 : i32
      %dma_wait3A_253 = tpu.memref_slice %arg3[%add3A_10, %dma_wait3A_252] : memref<16384x26xi32, #tpu.memory_space<hbm>> -> memref<64x26xi32, #tpu.memory_space<hbm>>
      tpu.wait_dma2 semaphore(%run_scoped3A : memref<!tpu.dma_semaphore, #tpu.memory_space<semaphore_mem>>) src(%dma_wait3A_253 : memref<64x26xi32, #tpu.memory_space<hbm>>) dst(%arg6 : memref<64x26xi32, #tpu.memory_space<vmem>>)
      tpu.yield
    }) : () -> ()
    %scan3A_11 = arith.constant 0 : i32
    %scan3A_12 = arith.constant 0 : i32
    %scan3A_13 = arith.constant 64 : i32
    %scan3A_14 = arith.addi %scan3A_12, %scan3A_13 : i32
    %scan3A_15 = arith.constant 1 : i32
    %scan3A_16 = scf.for %scan3A_246 = %scan3A_12 to %scan3A_14 step %scan3A_15 iter_args(%scan3A_247 = %scan3A_11) -> (i32)  : i32 {
      %dma_start3A_248 = arith.constant 0 : i32
      %dma_start3A_249 = arith.constant 0 : i32
      %dma_start3A_250 = tpu.memref_slice %arg8[%scan3A_246, %dma_start3A_248, %dma_start3A_249] : memref<64x26x32xf32, #tpu.memory_space<vmem>> -> memref<1x26x32xf32, #tpu.memory_space<vmem>>
      %dma_start3A_251 = tpu.memref_squeeze %dma_start3A_250 : memref<1x26x32xf32, #tpu.memory_space<vmem>> -> memref<26x32xf32, #tpu.memory_space<vmem>>
      %dma_start3A_252 = arith.constant 0 : i32
      %dma_start3A_253 = tpu.memref_slice %arg6[%scan3A_246, %dma_start3A_252] : memref<64x26xi32, #tpu.memory_space<vmem>> -> memref<1x26xi32, #tpu.memory_space<vmem>>
      %dma_start3A_254 = tpu.memref_squeeze %dma_start3A_253 : memref<1x26xi32, #tpu.memory_space<vmem>> -> memref<26xi32, #tpu.memory_space<vmem>>
      %dma_start3A_255 = arith.constant 0 : i32
      %dma_start3A_256 = arith.constant 0 : i32
      %dma_start3A_257 = tpu.memref_slice %arg2[%dma_start3A_255, %dma_start3A_256] : memref<1000000x32xf32, #tpu.memory_space<hbm>> -> memref<1000000x32xf32, #tpu.memory_space<hbm>>
      tpu.enqueue_indirect_dma source(%dma_start3A_257 : memref<1000000x32xf32, #tpu.memory_space<hbm>>) target(%dma_start3A_251 : memref<26x32xf32, #tpu.memory_space<vmem>>) offsets(%dma_start3A_254 : memref<26xi32, #tpu.memory_space<vmem>>) semaphore(%arg10 : memref<!tpu.dma_semaphore, #tpu.memory_space<semaphore_mem>>)
      %scan3A_258 = arith.constant 0 : i32
      scf.yield %scan3A_258 : i32
    }
    %scan3A_17 = arith.constant 64 : i32
    %dma_wait3A = arith.constant 0 : i32
    %dma_wait3A_18 = arith.constant 0 : i32
    %dma_wait3A_19 = arith.constant 0 : i32
    %dma_wait3A_20 = tpu.memref_slice %arg4[%dma_wait3A, %dma_wait3A_18, %dma_wait3A_19] : memref<16384x26x32xf32, #tpu.memory_space<hbm>> -> memref<64x26x32xf32, #tpu.memory_space<hbm>>
    %dma_wait3A_21 = arith.constant 0 : i32
    %dma_wait3A_22 = arith.constant 0 : i32
    %dma_wait3A_23 = arith.constant 0 : i32
    %dma_wait3A_24 = tpu.memref_slice %arg4[%dma_wait3A_21, %dma_wait3A_22, %dma_wait3A_23] : memref<16384x26x32xf32, #tpu.memory_space<hbm>> -> memref<64x26x32xf32, #tpu.memory_space<hbm>>
    tpu.wait_dma2 semaphore(%arg9 : memref<!tpu.dma_semaphore, #tpu.memory_space<semaphore_mem>>) src(%dma_wait3A_24 : memref<64x26x32xf32, #tpu.memory_space<hbm>>) dst(%arg7 : memref<64x26x32xf32, #tpu.memory_space<vmem>>)
    %add3A_25 = arith.constant 0 : i32
    %add3A_26 = arith.addi %mul3A_2, %add3A_25 : i32
    %dma_start3A = arith.constant 0 : i32
    %dma_start3A_27 = arith.constant 0 : i32
    %dma_start3A_28 = tpu.memref_slice %arg4[%add3A_26, %dma_start3A, %dma_start3A_27] : memref<16384x26x32xf32, #tpu.memory_space<hbm>> -> memref<64x26x32xf32, #tpu.memory_space<hbm>>
    %dma_start3A_29 = arith.constant 0 : i32
    %dma_start3A_30 = arith.constant 0 : i32
    %dma_start3A_31 = tpu.memref_slice %arg4[%add3A_26, %dma_start3A_29, %dma_start3A_30] : memref<16384x26x32xf32, #tpu.memory_space<hbm>> -> memref<64x26x32xf32, #tpu.memory_space<hbm>>
    tpu.enqueue_dma source(%arg7 : memref<64x26x32xf32, #tpu.memory_space<vmem>>) target(%dma_start3A_31 : memref<64x26x32xf32, #tpu.memory_space<hbm>>) target_semaphore(%arg11 : memref<!tpu.dma_semaphore, #tpu.memory_space<semaphore_mem>>)
    %add3A_32 = arith.constant 128 : i32
    %add3A_33 = arith.addi %mul3A_2, %add3A_32 : i32
    "tpu.region"() ({
      %run_scoped3A = tpu.sem_alloc : memref<!tpu.dma_semaphore, #tpu.memory_space<semaphore_mem>>
      %dma_start3A_246 = arith.constant 0 : i32
      %dma_start3A_247 = tpu.memref_slice %arg3[%add3A_33, %dma_start3A_246] : memref<16384x26xi32, #tpu.memory_space<hbm>> -> memref<64x26xi32, #tpu.memory_space<hbm>>
      %dma_start3A_248 = arith.constant 0 : i32
      %dma_start3A_249 = tpu.memref_slice %arg3[%add3A_33, %dma_start3A_248] : memref<16384x26xi32, #tpu.memory_space<hbm>> -> memref<64x26xi32, #tpu.memory_space<hbm>>
      tpu.enqueue_dma source(%dma_start3A_249 : memref<64x26xi32, #tpu.memory_space<hbm>>) target(%arg5 : memref<64x26xi32, #tpu.memory_space<vmem>>) target_semaphore(%run_scoped3A : memref<!tpu.dma_semaphore, #tpu.memory_space<semaphore_mem>>)
      %dma_wait3A_250 = arith.constant 0 : i32
      %dma_wait3A_251 = tpu.memref_slice %arg3[%add3A_33, %dma_wait3A_250] : memref<16384x26xi32, #tpu.memory_space<hbm>> -> memref<64x26xi32, #tpu.memory_space<hbm>>
      %dma_wait3A_252 = arith.constant 0 : i32
      %dma_wait3A_253 = tpu.memref_slice %arg3[%add3A_33, %dma_wait3A_252] : memref<16384x26xi32, #tpu.memory_space<hbm>> -> memref<64x26xi32, #tpu.memory_space<hbm>>
      tpu.wait_dma2 semaphore(%run_scoped3A : memref<!tpu.dma_semaphore, #tpu.memory_space<semaphore_mem>>) src(%dma_wait3A_253 : memref<64x26xi32, #tpu.memory_space<hbm>>) dst(%arg5 : memref<64x26xi32, #tpu.memory_space<vmem>>)
      tpu.yield
    }) : () -> ()
    %dma_wait3A_34 = arith.constant 0 : i32
    %dma_wait3A_35 = arith.constant 0 : i32
    %dma_wait3A_36 = tpu.memref_slice %arg4[%add3A_26, %dma_wait3A_34, %dma_wait3A_35] : memref<16384x26x32xf32, #tpu.memory_space<hbm>> -> memref<64x26x32xf32, #tpu.memory_space<hbm>>
    %dma_wait3A_37 = arith.constant 0 : i32
    %dma_wait3A_38 = arith.constant 0 : i32
    %dma_wait3A_39 = tpu.memref_slice %arg4[%add3A_26, %dma_wait3A_37, %dma_wait3A_38] : memref<16384x26x32xf32, #tpu.memory_space<hbm>> -> memref<64x26x32xf32, #tpu.memory_space<hbm>>
    tpu.wait_dma2 semaphore(%arg11 : memref<!tpu.dma_semaphore, #tpu.memory_space<semaphore_mem>>) src(%arg7 : memref<64x26x32xf32, #tpu.memory_space<vmem>>) dst(%dma_wait3A_39 : memref<64x26x32xf32, #tpu.memory_space<hbm>>)
    %scan3A_40 = arith.constant 0 : i32
    %scan3A_41 = arith.constant 0 : i32
    %scan3A_42 = arith.constant 64 : i32
    %scan3A_43 = arith.addi %scan3A_41, %scan3A_42 : i32
    %scan3A_44 = arith.constant 1 : i32
    %scan3A_45 = scf.for %scan3A_246 = %scan3A_41 to %scan3A_43 step %scan3A_44 iter_args(%scan3A_247 = %scan3A_40) -> (i32)  : i32 {
      %dma_start3A_248 = arith.constant 0 : i32
      %dma_start3A_249 = arith.constant 0 : i32
      %dma_start3A_250 = tpu.memref_slice %arg7[%scan3A_246, %dma_start3A_248, %dma_start3A_249] : memref<64x26x32xf32, #tpu.memory_space<vmem>> -> memref<1x26x32xf32, #tpu.memory_space<vmem>>
      %dma_start3A_251 = tpu.memref_squeeze %dma_start3A_250 : memref<1x26x32xf32, #tpu.memory_space<vmem>> -> memref<26x32xf32, #tpu.memory_space<vmem>>
      %dma_start3A_252 = arith.constant 0 : i32
      %dma_start3A_253 = tpu.memref_slice %arg5[%scan3A_246, %dma_start3A_252] : memref<64x26xi32, #tpu.memory_space<vmem>> -> memref<1x26xi32, #tpu.memory_space<vmem>>
      %dma_start3A_254 = tpu.memref_squeeze %dma_start3A_253 : memref<1x26xi32, #tpu.memory_space<vmem>> -> memref<26xi32, #tpu.memory_space<vmem>>
      %dma_start3A_255 = arith.constant 0 : i32
      %dma_start3A_256 = arith.constant 0 : i32
      %dma_start3A_257 = tpu.memref_slice %arg2[%dma_start3A_255, %dma_start3A_256] : memref<1000000x32xf32, #tpu.memory_space<hbm>> -> memref<1000000x32xf32, #tpu.memory_space<hbm>>
      tpu.enqueue_indirect_dma source(%dma_start3A_257 : memref<1000000x32xf32, #tpu.memory_space<hbm>>) target(%dma_start3A_251 : memref<26x32xf32, #tpu.memory_space<vmem>>) offsets(%dma_start3A_254 : memref<26xi32, #tpu.memory_space<vmem>>) semaphore(%arg9 : memref<!tpu.dma_semaphore, #tpu.memory_space<semaphore_mem>>)
      %scan3A_258 = arith.constant 0 : i32
      scf.yield %scan3A_258 : i32
    }
    %scan3A_46 = arith.constant 64 : i32
    %dma_wait3A_47 = arith.constant 0 : i32
    %dma_wait3A_48 = arith.constant 0 : i32
    %dma_wait3A_49 = arith.constant 0 : i32
    %dma_wait3A_50 = tpu.memref_slice %arg4[%dma_wait3A_47, %dma_wait3A_48, %dma_wait3A_49] : memref<16384x26x32xf32, #tpu.memory_space<hbm>> -> memref<64x26x32xf32, #tpu.memory_space<hbm>>
    %dma_wait3A_51 = arith.constant 0 : i32
    %dma_wait3A_52 = arith.constant 0 : i32
    %dma_wait3A_53 = arith.constant 0 : i32
    %dma_wait3A_54 = tpu.memref_slice %arg4[%dma_wait3A_51, %dma_wait3A_52, %dma_wait3A_53] : memref<16384x26x32xf32, #tpu.memory_space<hbm>> -> memref<64x26x32xf32, #tpu.memory_space<hbm>>
    tpu.wait_dma2 semaphore(%arg10 : memref<!tpu.dma_semaphore, #tpu.memory_space<semaphore_mem>>) src(%dma_wait3A_54 : memref<64x26x32xf32, #tpu.memory_space<hbm>>) dst(%arg8 : memref<64x26x32xf32, #tpu.memory_space<vmem>>)
    %add3A_55 = arith.constant 64 : i32
    %add3A_56 = arith.addi %mul3A_2, %add3A_55 : i32
    %dma_start3A_57 = arith.constant 0 : i32
    %dma_start3A_58 = arith.constant 0 : i32
    %dma_start3A_59 = tpu.memref_slice %arg4[%add3A_56, %dma_start3A_57, %dma_start3A_58] : memref<16384x26x32xf32, #tpu.memory_space<hbm>> -> memref<64x26x32xf32, #tpu.memory_space<hbm>>
    %dma_start3A_60 = arith.constant 0 : i32
    %dma_start3A_61 = arith.constant 0 : i32
    %dma_start3A_62 = tpu.memref_slice %arg4[%add3A_56, %dma_start3A_60, %dma_start3A_61] : memref<16384x26x32xf32, #tpu.memory_space<hbm>> -> memref<64x26x32xf32, #tpu.memory_space<hbm>>
    tpu.enqueue_dma source(%arg8 : memref<64x26x32xf32, #tpu.memory_space<vmem>>) target(%dma_start3A_62 : memref<64x26x32xf32, #tpu.memory_space<hbm>>) target_semaphore(%arg12 : memref<!tpu.dma_semaphore, #tpu.memory_space<semaphore_mem>>)
    %add3A_63 = arith.constant 192 : i32
    %add3A_64 = arith.addi %mul3A_2, %add3A_63 : i32
    "tpu.region"() ({
      %run_scoped3A = tpu.sem_alloc : memref<!tpu.dma_semaphore, #tpu.memory_space<semaphore_mem>>
      %dma_start3A_246 = arith.constant 0 : i32
      %dma_start3A_247 = tpu.memref_slice %arg3[%add3A_64, %dma_start3A_246] : memref<16384x26xi32, #tpu.memory_space<hbm>> -> memref<64x26xi32, #tpu.memory_space<hbm>>
      %dma_start3A_248 = arith.constant 0 : i32
      %dma_start3A_249 = tpu.memref_slice %arg3[%add3A_64, %dma_start3A_248] : memref<16384x26xi32, #tpu.memory_space<hbm>> -> memref<64x26xi32, #tpu.memory_space<hbm>>
      tpu.enqueue_dma source(%dma_start3A_249 : memref<64x26xi32, #tpu.memory_space<hbm>>) target(%arg6 : memref<64x26xi32, #tpu.memory_space<vmem>>) target_semaphore(%run_scoped3A : memref<!tpu.dma_semaphore, #tpu.memory_space<semaphore_mem>>)
      %dma_wait3A_250 = arith.constant 0 : i32
      %dma_wait3A_251 = tpu.memref_slice %arg3[%add3A_64, %dma_wait3A_250] : memref<16384x26xi32, #tpu.memory_space<hbm>> -> memref<64x26xi32, #tpu.memory_space<hbm>>
      %dma_wait3A_252 = arith.constant 0 : i32
      %dma_wait3A_253 = tpu.memref_slice %arg3[%add3A_64, %dma_wait3A_252] : memref<16384x26xi32, #tpu.memory_space<hbm>> -> memref<64x26xi32, #tpu.memory_space<hbm>>
      tpu.wait_dma2 semaphore(%run_scoped3A : memref<!tpu.dma_semaphore, #tpu.memory_space<semaphore_mem>>) src(%dma_wait3A_253 : memref<64x26xi32, #tpu.memory_space<hbm>>) dst(%arg6 : memref<64x26xi32, #tpu.memory_space<vmem>>)
      tpu.yield
    }) : () -> ()
    %dma_wait3A_65 = arith.constant 0 : i32
    %dma_wait3A_66 = arith.constant 0 : i32
    %dma_wait3A_67 = tpu.memref_slice %arg4[%add3A_56, %dma_wait3A_65, %dma_wait3A_66] : memref<16384x26x32xf32, #tpu.memory_space<hbm>> -> memref<64x26x32xf32, #tpu.memory_space<hbm>>
    %dma_wait3A_68 = arith.constant 0 : i32
    %dma_wait3A_69 = arith.constant 0 : i32
    %dma_wait3A_70 = tpu.memref_slice %arg4[%add3A_56, %dma_wait3A_68, %dma_wait3A_69] : memref<16384x26x32xf32, #tpu.memory_space<hbm>> -> memref<64x26x32xf32, #tpu.memory_space<hbm>>
    tpu.wait_dma2 semaphore(%arg12 : memref<!tpu.dma_semaphore, #tpu.memory_space<semaphore_mem>>) src(%arg8 : memref<64x26x32xf32, #tpu.memory_space<vmem>>) dst(%dma_wait3A_70 : memref<64x26x32xf32, #tpu.memory_space<hbm>>)
    %scan3A_71 = arith.constant 0 : i32
    %scan3A_72 = arith.constant 0 : i32
    %scan3A_73 = arith.constant 64 : i32
    %scan3A_74 = arith.addi %scan3A_72, %scan3A_73 : i32
    %scan3A_75 = arith.constant 1 : i32
    %scan3A_76 = scf.for %scan3A_246 = %scan3A_72 to %scan3A_74 step %scan3A_75 iter_args(%scan3A_247 = %scan3A_71) -> (i32)  : i32 {
      %dma_start3A_248 = arith.constant 0 : i32
      %dma_start3A_249 = arith.constant 0 : i32
      %dma_start3A_250 = tpu.memref_slice %arg8[%scan3A_246, %dma_start3A_248, %dma_start3A_249] : memref<64x26x32xf32, #tpu.memory_space<vmem>> -> memref<1x26x32xf32, #tpu.memory_space<vmem>>
      %dma_start3A_251 = tpu.memref_squeeze %dma_start3A_250 : memref<1x26x32xf32, #tpu.memory_space<vmem>> -> memref<26x32xf32, #tpu.memory_space<vmem>>
      %dma_start3A_252 = arith.constant 0 : i32
      %dma_start3A_253 = tpu.memref_slice %arg6[%scan3A_246, %dma_start3A_252] : memref<64x26xi32, #tpu.memory_space<vmem>> -> memref<1x26xi32, #tpu.memory_space<vmem>>
      %dma_start3A_254 = tpu.memref_squeeze %dma_start3A_253 : memref<1x26xi32, #tpu.memory_space<vmem>> -> memref<26xi32, #tpu.memory_space<vmem>>
      %dma_start3A_255 = arith.constant 0 : i32
      %dma_start3A_256 = arith.constant 0 : i32
      %dma_start3A_257 = tpu.memref_slice %arg2[%dma_start3A_255, %dma_start3A_256] : memref<1000000x32xf32, #tpu.memory_space<hbm>> -> memref<1000000x32xf32, #tpu.memory_space<hbm>>
      tpu.enqueue_indirect_dma source(%dma_start3A_257 : memref<1000000x32xf32, #tpu.memory_space<hbm>>) target(%dma_start3A_251 : memref<26x32xf32, #tpu.memory_space<vmem>>) offsets(%dma_start3A_254 : memref<26xi32, #tpu.memory_space<vmem>>) semaphore(%arg10 : memref<!tpu.dma_semaphore, #tpu.memory_space<semaphore_mem>>)
      %scan3A_258 = arith.constant 0 : i32
      scf.yield %scan3A_258 : i32
    }
    %scan3A_77 = arith.constant 64 : i32
    %dma_wait3A_78 = arith.constant 0 : i32
    %dma_wait3A_79 = arith.constant 0 : i32
    %dma_wait3A_80 = arith.constant 0 : i32
    %dma_wait3A_81 = tpu.memref_slice %arg4[%dma_wait3A_78, %dma_wait3A_79, %dma_wait3A_80] : memref<16384x26x32xf32, #tpu.memory_space<hbm>> -> memref<64x26x32xf32, #tpu.memory_space<hbm>>
    %dma_wait3A_82 = arith.constant 0 : i32
    %dma_wait3A_83 = arith.constant 0 : i32
    %dma_wait3A_84 = arith.constant 0 : i32
    %dma_wait3A_85 = tpu.memref_slice %arg4[%dma_wait3A_82, %dma_wait3A_83, %dma_wait3A_84] : memref<16384x26x32xf32, #tpu.memory_space<hbm>> -> memref<64x26x32xf32, #tpu.memory_space<hbm>>
    tpu.wait_dma2 semaphore(%arg9 : memref<!tpu.dma_semaphore, #tpu.memory_space<semaphore_mem>>) src(%dma_wait3A_85 : memref<64x26x32xf32, #tpu.memory_space<hbm>>) dst(%arg7 : memref<64x26x32xf32, #tpu.memory_space<vmem>>)
    %add3A_86 = arith.constant 128 : i32
    %add3A_87 = arith.addi %mul3A_2, %add3A_86 : i32
    %dma_start3A_88 = arith.constant 0 : i32
    %dma_start3A_89 = arith.constant 0 : i32
    %dma_start3A_90 = tpu.memref_slice %arg4[%add3A_87, %dma_start3A_88, %dma_start3A_89] : memref<16384x26x32xf32, #tpu.memory_space<hbm>> -> memref<64x26x32xf32, #tpu.memory_space<hbm>>
    %dma_start3A_91 = arith.constant 0 : i32
    %dma_start3A_92 = arith.constant 0 : i32
    %dma_start3A_93 = tpu.memref_slice %arg4[%add3A_87, %dma_start3A_91, %dma_start3A_92] : memref<16384x26x32xf32, #tpu.memory_space<hbm>> -> memref<64x26x32xf32, #tpu.memory_space<hbm>>
    tpu.enqueue_dma source(%arg7 : memref<64x26x32xf32, #tpu.memory_space<vmem>>) target(%dma_start3A_93 : memref<64x26x32xf32, #tpu.memory_space<hbm>>) target_semaphore(%arg11 : memref<!tpu.dma_semaphore, #tpu.memory_space<semaphore_mem>>)
    %add3A_94 = arith.constant 256 : i32
    %add3A_95 = arith.addi %mul3A_2, %add3A_94 : i32
    "tpu.region"() ({
      %run_scoped3A = tpu.sem_alloc : memref<!tpu.dma_semaphore, #tpu.memory_space<semaphore_mem>>
      %dma_start3A_246 = arith.constant 0 : i32
      %dma_start3A_247 = tpu.memref_slice %arg3[%add3A_95, %dma_start3A_246] : memref<16384x26xi32, #tpu.memory_space<hbm>> -> memref<64x26xi32, #tpu.memory_space<hbm>>
      %dma_start3A_248 = arith.constant 0 : i32
      %dma_start3A_249 = tpu.memref_slice %arg3[%add3A_95, %dma_start3A_248] : memref<16384x26xi32, #tpu.memory_space<hbm>> -> memref<64x26xi32, #tpu.memory_space<hbm>>
      tpu.enqueue_dma source(%dma_start3A_249 : memref<64x26xi32, #tpu.memory_space<hbm>>) target(%arg5 : memref<64x26xi32, #tpu.memory_space<vmem>>) target_semaphore(%run_scoped3A : memref<!tpu.dma_semaphore, #tpu.memory_space<semaphore_mem>>)
      %dma_wait3A_250 = arith.constant 0 : i32
      %dma_wait3A_251 = tpu.memref_slice %arg3[%add3A_95, %dma_wait3A_250] : memref<16384x26xi32, #tpu.memory_space<hbm>> -> memref<64x26xi32, #tpu.memory_space<hbm>>
      %dma_wait3A_252 = arith.constant 0 : i32
      %dma_wait3A_253 = tpu.memref_slice %arg3[%add3A_95, %dma_wait3A_252] : memref<16384x26xi32, #tpu.memory_space<hbm>> -> memref<64x26xi32, #tpu.memory_space<hbm>>
      tpu.wait_dma2 semaphore(%run_scoped3A : memref<!tpu.dma_semaphore, #tpu.memory_space<semaphore_mem>>) src(%dma_wait3A_253 : memref<64x26xi32, #tpu.memory_space<hbm>>) dst(%arg5 : memref<64x26xi32, #tpu.memory_space<vmem>>)
      tpu.yield
    }) : () -> ()
    %dma_wait3A_96 = arith.constant 0 : i32
    %dma_wait3A_97 = arith.constant 0 : i32
    %dma_wait3A_98 = tpu.memref_slice %arg4[%add3A_87, %dma_wait3A_96, %dma_wait3A_97] : memref<16384x26x32xf32, #tpu.memory_space<hbm>> -> memref<64x26x32xf32, #tpu.memory_space<hbm>>
    %dma_wait3A_99 = arith.constant 0 : i32
    %dma_wait3A_100 = arith.constant 0 : i32
    %dma_wait3A_101 = tpu.memref_slice %arg4[%add3A_87, %dma_wait3A_99, %dma_wait3A_100] : memref<16384x26x32xf32, #tpu.memory_space<hbm>> -> memref<64x26x32xf32, #tpu.memory_space<hbm>>
    tpu.wait_dma2 semaphore(%arg11 : memref<!tpu.dma_semaphore, #tpu.memory_space<semaphore_mem>>) src(%arg7 : memref<64x26x32xf32, #tpu.memory_space<vmem>>) dst(%dma_wait3A_101 : memref<64x26x32xf32, #tpu.memory_space<hbm>>)
    %scan3A_102 = arith.constant 0 : i32
    %scan3A_103 = arith.constant 0 : i32
    %scan3A_104 = arith.constant 64 : i32
    %scan3A_105 = arith.addi %scan3A_103, %scan3A_104 : i32
    %scan3A_106 = arith.constant 1 : i32
    %scan3A_107 = scf.for %scan3A_246 = %scan3A_103 to %scan3A_105 step %scan3A_106 iter_args(%scan3A_247 = %scan3A_102) -> (i32)  : i32 {
      %dma_start3A_248 = arith.constant 0 : i32
      %dma_start3A_249 = arith.constant 0 : i32
      %dma_start3A_250 = tpu.memref_slice %arg7[%scan3A_246, %dma_start3A_248, %dma_start3A_249] : memref<64x26x32xf32, #tpu.memory_space<vmem>> -> memref<1x26x32xf32, #tpu.memory_space<vmem>>
      %dma_start3A_251 = tpu.memref_squeeze %dma_start3A_250 : memref<1x26x32xf32, #tpu.memory_space<vmem>> -> memref<26x32xf32, #tpu.memory_space<vmem>>
      %dma_start3A_252 = arith.constant 0 : i32
      %dma_start3A_253 = tpu.memref_slice %arg5[%scan3A_246, %dma_start3A_252] : memref<64x26xi32, #tpu.memory_space<vmem>> -> memref<1x26xi32, #tpu.memory_space<vmem>>
      %dma_start3A_254 = tpu.memref_squeeze %dma_start3A_253 : memref<1x26xi32, #tpu.memory_space<vmem>> -> memref<26xi32, #tpu.memory_space<vmem>>
      %dma_start3A_255 = arith.constant 0 : i32
      %dma_start3A_256 = arith.constant 0 : i32
      %dma_start3A_257 = tpu.memref_slice %arg2[%dma_start3A_255, %dma_start3A_256] : memref<1000000x32xf32, #tpu.memory_space<hbm>> -> memref<1000000x32xf32, #tpu.memory_space<hbm>>
      tpu.enqueue_indirect_dma source(%dma_start3A_257 : memref<1000000x32xf32, #tpu.memory_space<hbm>>) target(%dma_start3A_251 : memref<26x32xf32, #tpu.memory_space<vmem>>) offsets(%dma_start3A_254 : memref<26xi32, #tpu.memory_space<vmem>>) semaphore(%arg9 : memref<!tpu.dma_semaphore, #tpu.memory_space<semaphore_mem>>)
      %scan3A_258 = arith.constant 0 : i32
      scf.yield %scan3A_258 : i32
    }
    %scan3A_108 = arith.constant 64 : i32
    %dma_wait3A_109 = arith.constant 0 : i32
    %dma_wait3A_110 = arith.constant 0 : i32
    %dma_wait3A_111 = arith.constant 0 : i32
    %dma_wait3A_112 = tpu.memref_slice %arg4[%dma_wait3A_109, %dma_wait3A_110, %dma_wait3A_111] : memref<16384x26x32xf32, #tpu.memory_space<hbm>> -> memref<64x26x32xf32, #tpu.memory_space<hbm>>
    %dma_wait3A_113 = arith.constant 0 : i32
    %dma_wait3A_114 = arith.constant 0 : i32
    %dma_wait3A_115 = arith.constant 0 : i32
    %dma_wait3A_116 = tpu.memref_slice %arg4[%dma_wait3A_113, %dma_wait3A_114, %dma_wait3A_115] : memref<16384x26x32xf32, #tpu.memory_space<hbm>> -> memref<64x26x32xf32, #tpu.memory_space<hbm>>
    tpu.wait_dma2 semaphore(%arg10 : memref<!tpu.dma_semaphore, #tpu.memory_space<semaphore_mem>>) src(%dma_wait3A_116 : memref<64x26x32xf32, #tpu.memory_space<hbm>>) dst(%arg8 : memref<64x26x32xf32, #tpu.memory_space<vmem>>)
    %add3A_117 = arith.constant 192 : i32
    %add3A_118 = arith.addi %mul3A_2, %add3A_117 : i32
    %dma_start3A_119 = arith.constant 0 : i32
    %dma_start3A_120 = arith.constant 0 : i32
    %dma_start3A_121 = tpu.memref_slice %arg4[%add3A_118, %dma_start3A_119, %dma_start3A_120] : memref<16384x26x32xf32, #tpu.memory_space<hbm>> -> memref<64x26x32xf32, #tpu.memory_space<hbm>>
    %dma_start3A_122 = arith.constant 0 : i32
    %dma_start3A_123 = arith.constant 0 : i32
    %dma_start3A_124 = tpu.memref_slice %arg4[%add3A_118, %dma_start3A_122, %dma_start3A_123] : memref<16384x26x32xf32, #tpu.memory_space<hbm>> -> memref<64x26x32xf32, #tpu.memory_space<hbm>>
    tpu.enqueue_dma source(%arg8 : memref<64x26x32xf32, #tpu.memory_space<vmem>>) target(%dma_start3A_124 : memref<64x26x32xf32, #tpu.memory_space<hbm>>) target_semaphore(%arg12 : memref<!tpu.dma_semaphore, #tpu.memory_space<semaphore_mem>>)
    %add3A_125 = arith.constant 320 : i32
    %add3A_126 = arith.addi %mul3A_2, %add3A_125 : i32
    "tpu.region"() ({
      %run_scoped3A = tpu.sem_alloc : memref<!tpu.dma_semaphore, #tpu.memory_space<semaphore_mem>>
      %dma_start3A_246 = arith.constant 0 : i32
      %dma_start3A_247 = tpu.memref_slice %arg3[%add3A_126, %dma_start3A_246] : memref<16384x26xi32, #tpu.memory_space<hbm>> -> memref<64x26xi32, #tpu.memory_space<hbm>>
      %dma_start3A_248 = arith.constant 0 : i32
      %dma_start3A_249 = tpu.memref_slice %arg3[%add3A_126, %dma_start3A_248] : memref<16384x26xi32, #tpu.memory_space<hbm>> -> memref<64x26xi32, #tpu.memory_space<hbm>>
      tpu.enqueue_dma source(%dma_start3A_249 : memref<64x26xi32, #tpu.memory_space<hbm>>) target(%arg6 : memref<64x26xi32, #tpu.memory_space<vmem>>) target_semaphore(%run_scoped3A : memref<!tpu.dma_semaphore, #tpu.memory_space<semaphore_mem>>)
      %dma_wait3A_250 = arith.constant 0 : i32
      %dma_wait3A_251 = tpu.memref_slice %arg3[%add3A_126, %dma_wait3A_250] : memref<16384x26xi32, #tpu.memory_space<hbm>> -> memref<64x26xi32, #tpu.memory_space<hbm>>
      %dma_wait3A_252 = arith.constant 0 : i32
      %dma_wait3A_253 = tpu.memref_slice %arg3[%add3A_126, %dma_wait3A_252] : memref<16384x26xi32, #tpu.memory_space<hbm>> -> memref<64x26xi32, #tpu.memory_space<hbm>>
      tpu.wait_dma2 semaphore(%run_scoped3A : memref<!tpu.dma_semaphore, #tpu.memory_space<semaphore_mem>>) src(%dma_wait3A_253 : memref<64x26xi32, #tpu.memory_space<hbm>>) dst(%arg6 : memref<64x26xi32, #tpu.memory_space<vmem>>)
      tpu.yield
    }) : () -> ()
    %dma_wait3A_127 = arith.constant 0 : i32
    %dma_wait3A_128 = arith.constant 0 : i32
    %dma_wait3A_129 = tpu.memref_slice %arg4[%add3A_118, %dma_wait3A_127, %dma_wait3A_128] : memref<16384x26x32xf32, #tpu.memory_space<hbm>> -> memref<64x26x32xf32, #tpu.memory_space<hbm>>
    %dma_wait3A_130 = arith.constant 0 : i32
    %dma_wait3A_131 = arith.constant 0 : i32
    %dma_wait3A_132 = tpu.memref_slice %arg4[%add3A_118, %dma_wait3A_130, %dma_wait3A_131] : memref<16384x26x32xf32, #tpu.memory_space<hbm>> -> memref<64x26x32xf32, #tpu.memory_space<hbm>>
    tpu.wait_dma2 semaphore(%arg12 : memref<!tpu.dma_semaphore, #tpu.memory_space<semaphore_mem>>) src(%arg8 : memref<64x26x32xf32, #tpu.memory_space<vmem>>) dst(%dma_wait3A_132 : memref<64x26x32xf32, #tpu.memory_space<hbm>>)
    %scan3A_133 = arith.constant 0 : i32
    %scan3A_134 = arith.constant 0 : i32
    %scan3A_135 = arith.constant 64 : i32
    %scan3A_136 = arith.addi %scan3A_134, %scan3A_135 : i32
    %scan3A_137 = arith.constant 1 : i32
    %scan3A_138 = scf.for %scan3A_246 = %scan3A_134 to %scan3A_136 step %scan3A_137 iter_args(%scan3A_247 = %scan3A_133) -> (i32)  : i32 {
      %dma_start3A_248 = arith.constant 0 : i32
      %dma_start3A_249 = arith.constant 0 : i32
      %dma_start3A_250 = tpu.memref_slice %arg8[%scan3A_246, %dma_start3A_248, %dma_start3A_249] : memref<64x26x32xf32, #tpu.memory_space<vmem>> -> memref<1x26x32xf32, #tpu.memory_space<vmem>>
      %dma_start3A_251 = tpu.memref_squeeze %dma_start3A_250 : memref<1x26x32xf32, #tpu.memory_space<vmem>> -> memref<26x32xf32, #tpu.memory_space<vmem>>
      %dma_start3A_252 = arith.constant 0 : i32
      %dma_start3A_253 = tpu.memref_slice %arg6[%scan3A_246, %dma_start3A_252] : memref<64x26xi32, #tpu.memory_space<vmem>> -> memref<1x26xi32, #tpu.memory_space<vmem>>
      %dma_start3A_254 = tpu.memref_squeeze %dma_start3A_253 : memref<1x26xi32, #tpu.memory_space<vmem>> -> memref<26xi32, #tpu.memory_space<vmem>>
      %dma_start3A_255 = arith.constant 0 : i32
      %dma_start3A_256 = arith.constant 0 : i32
      %dma_start3A_257 = tpu.memref_slice %arg2[%dma_start3A_255, %dma_start3A_256] : memref<1000000x32xf32, #tpu.memory_space<hbm>> -> memref<1000000x32xf32, #tpu.memory_space<hbm>>
      tpu.enqueue_indirect_dma source(%dma_start3A_257 : memref<1000000x32xf32, #tpu.memory_space<hbm>>) target(%dma_start3A_251 : memref<26x32xf32, #tpu.memory_space<vmem>>) offsets(%dma_start3A_254 : memref<26xi32, #tpu.memory_space<vmem>>) semaphore(%arg10 : memref<!tpu.dma_semaphore, #tpu.memory_space<semaphore_mem>>)
      %scan3A_258 = arith.constant 0 : i32
      scf.yield %scan3A_258 : i32
    }
    %scan3A_139 = arith.constant 64 : i32
    %dma_wait3A_140 = arith.constant 0 : i32
    %dma_wait3A_141 = arith.constant 0 : i32
    %dma_wait3A_142 = arith.constant 0 : i32
    %dma_wait3A_143 = tpu.memref_slice %arg4[%dma_wait3A_140, %dma_wait3A_141, %dma_wait3A_142] : memref<16384x26x32xf32, #tpu.memory_space<hbm>> -> memref<64x26x32xf32, #tpu.memory_space<hbm>>
    %dma_wait3A_144 = arith.constant 0 : i32
    %dma_wait3A_145 = arith.constant 0 : i32
    %dma_wait3A_146 = arith.constant 0 : i32
    %dma_wait3A_147 = tpu.memref_slice %arg4[%dma_wait3A_144, %dma_wait3A_145, %dma_wait3A_146] : memref<16384x26x32xf32, #tpu.memory_space<hbm>> -> memref<64x26x32xf32, #tpu.memory_space<hbm>>
    tpu.wait_dma2 semaphore(%arg9 : memref<!tpu.dma_semaphore, #tpu.memory_space<semaphore_mem>>) src(%dma_wait3A_147 : memref<64x26x32xf32, #tpu.memory_space<hbm>>) dst(%arg7 : memref<64x26x32xf32, #tpu.memory_space<vmem>>)
    %add3A_148 = arith.constant 256 : i32
    %add3A_149 = arith.addi %mul3A_2, %add3A_148 : i32
    %dma_start3A_150 = arith.constant 0 : i32
    %dma_start3A_151 = arith.constant 0 : i32
    %dma_start3A_152 = tpu.memref_slice %arg4[%add3A_149, %dma_start3A_150, %dma_start3A_151] : memref<16384x26x32xf32, #tpu.memory_space<hbm>> -> memref<64x26x32xf32, #tpu.memory_space<hbm>>
    %dma_start3A_153 = arith.constant 0 : i32
    %dma_start3A_154 = arith.constant 0 : i32
    %dma_start3A_155 = tpu.memref_slice %arg4[%add3A_149, %dma_start3A_153, %dma_start3A_154] : memref<16384x26x32xf32, #tpu.memory_space<hbm>> -> memref<64x26x32xf32, #tpu.memory_space<hbm>>
    tpu.enqueue_dma source(%arg7 : memref<64x26x32xf32, #tpu.memory_space<vmem>>) target(%dma_start3A_155 : memref<64x26x32xf32, #tpu.memory_space<hbm>>) target_semaphore(%arg11 : memref<!tpu.dma_semaphore, #tpu.memory_space<semaphore_mem>>)
    %add3A_156 = arith.constant 384 : i32
    %add3A_157 = arith.addi %mul3A_2, %add3A_156 : i32
    "tpu.region"() ({
      %run_scoped3A = tpu.sem_alloc : memref<!tpu.dma_semaphore, #tpu.memory_space<semaphore_mem>>
      %dma_start3A_246 = arith.constant 0 : i32
      %dma_start3A_247 = tpu.memref_slice %arg3[%add3A_157, %dma_start3A_246] : memref<16384x26xi32, #tpu.memory_space<hbm>> -> memref<64x26xi32, #tpu.memory_space<hbm>>
      %dma_start3A_248 = arith.constant 0 : i32
      %dma_start3A_249 = tpu.memref_slice %arg3[%add3A_157, %dma_start3A_248] : memref<16384x26xi32, #tpu.memory_space<hbm>> -> memref<64x26xi32, #tpu.memory_space<hbm>>
      tpu.enqueue_dma source(%dma_start3A_249 : memref<64x26xi32, #tpu.memory_space<hbm>>) target(%arg5 : memref<64x26xi32, #tpu.memory_space<vmem>>) target_semaphore(%run_scoped3A : memref<!tpu.dma_semaphore, #tpu.memory_space<semaphore_mem>>)
      %dma_wait3A_250 = arith.constant 0 : i32
      %dma_wait3A_251 = tpu.memref_slice %arg3[%add3A_157, %dma_wait3A_250] : memref<16384x26xi32, #tpu.memory_space<hbm>> -> memref<64x26xi32, #tpu.memory_space<hbm>>
      %dma_wait3A_252 = arith.constant 0 : i32
      %dma_wait3A_253 = tpu.memref_slice %arg3[%add3A_157, %dma_wait3A_252] : memref<16384x26xi32, #tpu.memory_space<hbm>> -> memref<64x26xi32, #tpu.memory_space<hbm>>
      tpu.wait_dma2 semaphore(%run_scoped3A : memref<!tpu.dma_semaphore, #tpu.memory_space<semaphore_mem>>) src(%dma_wait3A_253 : memref<64x26xi32, #tpu.memory_space<hbm>>) dst(%arg5 : memref<64x26xi32, #tpu.memory_space<vmem>>)
      tpu.yield
    }) : () -> ()
    %dma_wait3A_158 = arith.constant 0 : i32
    %dma_wait3A_159 = arith.constant 0 : i32
    %dma_wait3A_160 = tpu.memref_slice %arg4[%add3A_149, %dma_wait3A_158, %dma_wait3A_159] : memref<16384x26x32xf32, #tpu.memory_space<hbm>> -> memref<64x26x32xf32, #tpu.memory_space<hbm>>
    %dma_wait3A_161 = arith.constant 0 : i32
    %dma_wait3A_162 = arith.constant 0 : i32
    %dma_wait3A_163 = tpu.memref_slice %arg4[%add3A_149, %dma_wait3A_161, %dma_wait3A_162] : memref<16384x26x32xf32, #tpu.memory_space<hbm>> -> memref<64x26x32xf32, #tpu.memory_space<hbm>>
    tpu.wait_dma2 semaphore(%arg11 : memref<!tpu.dma_semaphore, #tpu.memory_space<semaphore_mem>>) src(%arg7 : memref<64x26x32xf32, #tpu.memory_space<vmem>>) dst(%dma_wait3A_163 : memref<64x26x32xf32, #tpu.memory_space<hbm>>)
    %scan3A_164 = arith.constant 0 : i32
    %scan3A_165 = arith.constant 0 : i32
    %scan3A_166 = arith.constant 64 : i32
    %scan3A_167 = arith.addi %scan3A_165, %scan3A_166 : i32
    %scan3A_168 = arith.constant 1 : i32
    %scan3A_169 = scf.for %scan3A_246 = %scan3A_165 to %scan3A_167 step %scan3A_168 iter_args(%scan3A_247 = %scan3A_164) -> (i32)  : i32 {
      %dma_start3A_248 = arith.constant 0 : i32
      %dma_start3A_249 = arith.constant 0 : i32
      %dma_start3A_250 = tpu.memref_slice %arg7[%scan3A_246, %dma_start3A_248, %dma_start3A_249] : memref<64x26x32xf32, #tpu.memory_space<vmem>> -> memref<1x26x32xf32, #tpu.memory_space<vmem>>
      %dma_start3A_251 = tpu.memref_squeeze %dma_start3A_250 : memref<1x26x32xf32, #tpu.memory_space<vmem>> -> memref<26x32xf32, #tpu.memory_space<vmem>>
      %dma_start3A_252 = arith.constant 0 : i32
      %dma_start3A_253 = tpu.memref_slice %arg5[%scan3A_246, %dma_start3A_252] : memref<64x26xi32, #tpu.memory_space<vmem>> -> memref<1x26xi32, #tpu.memory_space<vmem>>
      %dma_start3A_254 = tpu.memref_squeeze %dma_start3A_253 : memref<1x26xi32, #tpu.memory_space<vmem>> -> memref<26xi32, #tpu.memory_space<vmem>>
      %dma_start3A_255 = arith.constant 0 : i32
      %dma_start3A_256 = arith.constant 0 : i32
      %dma_start3A_257 = tpu.memref_slice %arg2[%dma_start3A_255, %dma_start3A_256] : memref<1000000x32xf32, #tpu.memory_space<hbm>> -> memref<1000000x32xf32, #tpu.memory_space<hbm>>
      tpu.enqueue_indirect_dma source(%dma_start3A_257 : memref<1000000x32xf32, #tpu.memory_space<hbm>>) target(%dma_start3A_251 : memref<26x32xf32, #tpu.memory_space<vmem>>) offsets(%dma_start3A_254 : memref<26xi32, #tpu.memory_space<vmem>>) semaphore(%arg9 : memref<!tpu.dma_semaphore, #tpu.memory_space<semaphore_mem>>)
      %scan3A_258 = arith.constant 0 : i32
      scf.yield %scan3A_258 : i32
    }
    %scan3A_170 = arith.constant 64 : i32
    %dma_wait3A_171 = arith.constant 0 : i32
    %dma_wait3A_172 = arith.constant 0 : i32
    %dma_wait3A_173 = arith.constant 0 : i32
    %dma_wait3A_174 = tpu.memref_slice %arg4[%dma_wait3A_171, %dma_wait3A_172, %dma_wait3A_173] : memref<16384x26x32xf32, #tpu.memory_space<hbm>> -> memref<64x26x32xf32, #tpu.memory_space<hbm>>
    %dma_wait3A_175 = arith.constant 0 : i32
    %dma_wait3A_176 = arith.constant 0 : i32
    %dma_wait3A_177 = arith.constant 0 : i32
    %dma_wait3A_178 = tpu.memref_slice %arg4[%dma_wait3A_175, %dma_wait3A_176, %dma_wait3A_177] : memref<16384x26x32xf32, #tpu.memory_space<hbm>> -> memref<64x26x32xf32, #tpu.memory_space<hbm>>
    tpu.wait_dma2 semaphore(%arg10 : memref<!tpu.dma_semaphore, #tpu.memory_space<semaphore_mem>>) src(%dma_wait3A_178 : memref<64x26x32xf32, #tpu.memory_space<hbm>>) dst(%arg8 : memref<64x26x32xf32, #tpu.memory_space<vmem>>)
    %add3A_179 = arith.constant 320 : i32
    %add3A_180 = arith.addi %mul3A_2, %add3A_179 : i32
    %dma_start3A_181 = arith.constant 0 : i32
    %dma_start3A_182 = arith.constant 0 : i32
    %dma_start3A_183 = tpu.memref_slice %arg4[%add3A_180, %dma_start3A_181, %dma_start3A_182] : memref<16384x26x32xf32, #tpu.memory_space<hbm>> -> memref<64x26x32xf32, #tpu.memory_space<hbm>>
    %dma_start3A_184 = arith.constant 0 : i32
    %dma_start3A_185 = arith.constant 0 : i32
    %dma_start3A_186 = tpu.memref_slice %arg4[%add3A_180, %dma_start3A_184, %dma_start3A_185] : memref<16384x26x32xf32, #tpu.memory_space<hbm>> -> memref<64x26x32xf32, #tpu.memory_space<hbm>>
    tpu.enqueue_dma source(%arg8 : memref<64x26x32xf32, #tpu.memory_space<vmem>>) target(%dma_start3A_186 : memref<64x26x32xf32, #tpu.memory_space<hbm>>) target_semaphore(%arg12 : memref<!tpu.dma_semaphore, #tpu.memory_space<semaphore_mem>>)
    %add3A_187 = arith.constant 448 : i32
    %add3A_188 = arith.addi %mul3A_2, %add3A_187 : i32
    "tpu.region"() ({
      %run_scoped3A = tpu.sem_alloc : memref<!tpu.dma_semaphore, #tpu.memory_space<semaphore_mem>>
      %dma_start3A_246 = arith.constant 0 : i32
      %dma_start3A_247 = tpu.memref_slice %arg3[%add3A_188, %dma_start3A_246] : memref<16384x26xi32, #tpu.memory_space<hbm>> -> memref<64x26xi32, #tpu.memory_space<hbm>>
      %dma_start3A_248 = arith.constant 0 : i32
      %dma_start3A_249 = tpu.memref_slice %arg3[%add3A_188, %dma_start3A_248] : memref<16384x26xi32, #tpu.memory_space<hbm>> -> memref<64x26xi32, #tpu.memory_space<hbm>>
      tpu.enqueue_dma source(%dma_start3A_249 : memref<64x26xi32, #tpu.memory_space<hbm>>) target(%arg6 : memref<64x26xi32, #tpu.memory_space<vmem>>) target_semaphore(%run_scoped3A : memref<!tpu.dma_semaphore, #tpu.memory_space<semaphore_mem>>)
      %dma_wait3A_250 = arith.constant 0 : i32
      %dma_wait3A_251 = tpu.memref_slice %arg3[%add3A_188, %dma_wait3A_250] : memref<16384x26xi32, #tpu.memory_space<hbm>> -> memref<64x26xi32, #tpu.memory_space<hbm>>
      %dma_wait3A_252 = arith.constant 0 : i32
      %dma_wait3A_253 = tpu.memref_slice %arg3[%add3A_188, %dma_wait3A_252] : memref<16384x26xi32, #tpu.memory_space<hbm>> -> memref<64x26xi32, #tpu.memory_space<hbm>>
      tpu.wait_dma2 semaphore(%run_scoped3A : memref<!tpu.dma_semaphore, #tpu.memory_space<semaphore_mem>>) src(%dma_wait3A_253 : memref<64x26xi32, #tpu.memory_space<hbm>>) dst(%arg6 : memref<64x26xi32, #tpu.memory_space<vmem>>)
      tpu.yield
    }) : () -> ()
    %dma_wait3A_189 = arith.constant 0 : i32
    %dma_wait3A_190 = arith.constant 0 : i32
    %dma_wait3A_191 = tpu.memref_slice %arg4[%add3A_180, %dma_wait3A_189, %dma_wait3A_190] : memref<16384x26x32xf32, #tpu.memory_space<hbm>> -> memref<64x26x32xf32, #tpu.memory_space<hbm>>
    %dma_wait3A_192 = arith.constant 0 : i32
    %dma_wait3A_193 = arith.constant 0 : i32
    %dma_wait3A_194 = tpu.memref_slice %arg4[%add3A_180, %dma_wait3A_192, %dma_wait3A_193] : memref<16384x26x32xf32, #tpu.memory_space<hbm>> -> memref<64x26x32xf32, #tpu.memory_space<hbm>>
    tpu.wait_dma2 semaphore(%arg12 : memref<!tpu.dma_semaphore, #tpu.memory_space<semaphore_mem>>) src(%arg8 : memref<64x26x32xf32, #tpu.memory_space<vmem>>) dst(%dma_wait3A_194 : memref<64x26x32xf32, #tpu.memory_space<hbm>>)
    %scan3A_195 = arith.constant 0 : i32
    %scan3A_196 = arith.constant 0 : i32
    %scan3A_197 = arith.constant 64 : i32
    %scan3A_198 = arith.addi %scan3A_196, %scan3A_197 : i32
    %scan3A_199 = arith.constant 1 : i32
    %scan3A_200 = scf.for %scan3A_246 = %scan3A_196 to %scan3A_198 step %scan3A_199 iter_args(%scan3A_247 = %scan3A_195) -> (i32)  : i32 {
      %dma_start3A_248 = arith.constant 0 : i32
      %dma_start3A_249 = arith.constant 0 : i32
      %dma_start3A_250 = tpu.memref_slice %arg8[%scan3A_246, %dma_start3A_248, %dma_start3A_249] : memref<64x26x32xf32, #tpu.memory_space<vmem>> -> memref<1x26x32xf32, #tpu.memory_space<vmem>>
      %dma_start3A_251 = tpu.memref_squeeze %dma_start3A_250 : memref<1x26x32xf32, #tpu.memory_space<vmem>> -> memref<26x32xf32, #tpu.memory_space<vmem>>
      %dma_start3A_252 = arith.constant 0 : i32
      %dma_start3A_253 = tpu.memref_slice %arg6[%scan3A_246, %dma_start3A_252] : memref<64x26xi32, #tpu.memory_space<vmem>> -> memref<1x26xi32, #tpu.memory_space<vmem>>
      %dma_start3A_254 = tpu.memref_squeeze %dma_start3A_253 : memref<1x26xi32, #tpu.memory_space<vmem>> -> memref<26xi32, #tpu.memory_space<vmem>>
      %dma_start3A_255 = arith.constant 0 : i32
      %dma_start3A_256 = arith.constant 0 : i32
      %dma_start3A_257 = tpu.memref_slice %arg2[%dma_start3A_255, %dma_start3A_256] : memref<1000000x32xf32, #tpu.memory_space<hbm>> -> memref<1000000x32xf32, #tpu.memory_space<hbm>>
      tpu.enqueue_indirect_dma source(%dma_start3A_257 : memref<1000000x32xf32, #tpu.memory_space<hbm>>) target(%dma_start3A_251 : memref<26x32xf32, #tpu.memory_space<vmem>>) offsets(%dma_start3A_254 : memref<26xi32, #tpu.memory_space<vmem>>) semaphore(%arg10 : memref<!tpu.dma_semaphore, #tpu.memory_space<semaphore_mem>>)
      %scan3A_258 = arith.constant 0 : i32
      scf.yield %scan3A_258 : i32
    }
    %scan3A_201 = arith.constant 64 : i32
    %dma_wait3A_202 = arith.constant 0 : i32
    %dma_wait3A_203 = arith.constant 0 : i32
    %dma_wait3A_204 = arith.constant 0 : i32
    %dma_wait3A_205 = tpu.memref_slice %arg4[%dma_wait3A_202, %dma_wait3A_203, %dma_wait3A_204] : memref<16384x26x32xf32, #tpu.memory_space<hbm>> -> memref<64x26x32xf32, #tpu.memory_space<hbm>>
    %dma_wait3A_206 = arith.constant 0 : i32
    %dma_wait3A_207 = arith.constant 0 : i32
    %dma_wait3A_208 = arith.constant 0 : i32
    %dma_wait3A_209 = tpu.memref_slice %arg4[%dma_wait3A_206, %dma_wait3A_207, %dma_wait3A_208] : memref<16384x26x32xf32, #tpu.memory_space<hbm>> -> memref<64x26x32xf32, #tpu.memory_space<hbm>>
    tpu.wait_dma2 semaphore(%arg9 : memref<!tpu.dma_semaphore, #tpu.memory_space<semaphore_mem>>) src(%dma_wait3A_209 : memref<64x26x32xf32, #tpu.memory_space<hbm>>) dst(%arg7 : memref<64x26x32xf32, #tpu.memory_space<vmem>>)
    %add3A_210 = arith.constant 384 : i32
    %add3A_211 = arith.addi %mul3A_2, %add3A_210 : i32
    %dma_start3A_212 = arith.constant 0 : i32
    %dma_start3A_213 = arith.constant 0 : i32
    %dma_start3A_214 = tpu.memref_slice %arg4[%add3A_211, %dma_start3A_212, %dma_start3A_213] : memref<16384x26x32xf32, #tpu.memory_space<hbm>> -> memref<64x26x32xf32, #tpu.memory_space<hbm>>
    %dma_start3A_215 = arith.constant 0 : i32
    %dma_start3A_216 = arith.constant 0 : i32
    %dma_start3A_217 = tpu.memref_slice %arg4[%add3A_211, %dma_start3A_215, %dma_start3A_216] : memref<16384x26x32xf32, #tpu.memory_space<hbm>> -> memref<64x26x32xf32, #tpu.memory_space<hbm>>
    tpu.enqueue_dma source(%arg7 : memref<64x26x32xf32, #tpu.memory_space<vmem>>) target(%dma_start3A_217 : memref<64x26x32xf32, #tpu.memory_space<hbm>>) target_semaphore(%arg11 : memref<!tpu.dma_semaphore, #tpu.memory_space<semaphore_mem>>)
    %dma_wait3A_218 = arith.constant 0 : i32
    %dma_wait3A_219 = arith.constant 0 : i32
    %dma_wait3A_220 = arith.constant 0 : i32
    %dma_wait3A_221 = tpu.memref_slice %arg4[%dma_wait3A_218, %dma_wait3A_219, %dma_wait3A_220] : memref<16384x26x32xf32, #tpu.memory_space<hbm>> -> memref<64x26x32xf32, #tpu.memory_space<hbm>>
    %dma_wait3A_222 = arith.constant 0 : i32
    %dma_wait3A_223 = arith.constant 0 : i32
    %dma_wait3A_224 = arith.constant 0 : i32
    %dma_wait3A_225 = tpu.memref_slice %arg4[%dma_wait3A_222, %dma_wait3A_223, %dma_wait3A_224] : memref<16384x26x32xf32, #tpu.memory_space<hbm>> -> memref<64x26x32xf32, #tpu.memory_space<hbm>>
    tpu.wait_dma2 semaphore(%arg10 : memref<!tpu.dma_semaphore, #tpu.memory_space<semaphore_mem>>) src(%dma_wait3A_225 : memref<64x26x32xf32, #tpu.memory_space<hbm>>) dst(%arg8 : memref<64x26x32xf32, #tpu.memory_space<vmem>>)
    %add3A_226 = arith.constant 448 : i32
    %add3A_227 = arith.addi %mul3A_2, %add3A_226 : i32
    %dma_start3A_228 = arith.constant 0 : i32
    %dma_start3A_229 = arith.constant 0 : i32
    %dma_start3A_230 = tpu.memref_slice %arg4[%add3A_227, %dma_start3A_228, %dma_start3A_229] : memref<16384x26x32xf32, #tpu.memory_space<hbm>> -> memref<64x26x32xf32, #tpu.memory_space<hbm>>
    %dma_start3A_231 = arith.constant 0 : i32
    %dma_start3A_232 = arith.constant 0 : i32
    %dma_start3A_233 = tpu.memref_slice %arg4[%add3A_227, %dma_start3A_231, %dma_start3A_232] : memref<16384x26x32xf32, #tpu.memory_space<hbm>> -> memref<64x26x32xf32, #tpu.memory_space<hbm>>
    tpu.enqueue_dma source(%arg8 : memref<64x26x32xf32, #tpu.memory_space<vmem>>) target(%dma_start3A_233 : memref<64x26x32xf32, #tpu.memory_space<hbm>>) target_semaphore(%arg12 : memref<!tpu.dma_semaphore, #tpu.memory_space<semaphore_mem>>)
    %dma_wait3A_234 = arith.constant 0 : i32
    %dma_wait3A_235 = arith.constant 0 : i32
    %dma_wait3A_236 = tpu.memref_slice %arg4[%add3A_211, %dma_wait3A_234, %dma_wait3A_235] : memref<16384x26x32xf32, #tpu.memory_space<hbm>> -> memref<64x26x32xf32, #tpu.memory_space<hbm>>
    %dma_wait3A_237 = arith.constant 0 : i32
    %dma_wait3A_238 = arith.constant 0 : i32
    %dma_wait3A_239 = tpu.memref_slice %arg4[%add3A_211, %dma_wait3A_237, %dma_wait3A_238] : memref<16384x26x32xf32, #tpu.memory_space<hbm>> -> memref<64x26x32xf32, #tpu.memory_space<hbm>>
    tpu.wait_dma2 semaphore(%arg11 : memref<!tpu.dma_semaphore, #tpu.memory_space<semaphore_mem>>) src(%arg7 : memref<64x26x32xf32, #tpu.memory_space<vmem>>) dst(%dma_wait3A_239 : memref<64x26x32xf32, #tpu.memory_space<hbm>>)
    %dma_wait3A_240 = arith.constant 0 : i32
    %dma_wait3A_241 = arith.constant 0 : i32
    %dma_wait3A_242 = tpu.memref_slice %arg4[%add3A_227, %dma_wait3A_240, %dma_wait3A_241] : memref<16384x26x32xf32, #tpu.memory_space<hbm>> -> memref<64x26x32xf32, #tpu.memory_space<hbm>>
    %dma_wait3A_243 = arith.constant 0 : i32
    %dma_wait3A_244 = arith.constant 0 : i32
    %dma_wait3A_245 = tpu.memref_slice %arg4[%add3A_227, %dma_wait3A_243, %dma_wait3A_244] : memref<16384x26x32xf32, #tpu.memory_space<hbm>> -> memref<64x26x32xf32, #tpu.memory_space<hbm>>
    tpu.wait_dma2 semaphore(%arg12 : memref<!tpu.dma_semaphore, #tpu.memory_space<semaphore_mem>>) src(%arg8 : memref<64x26x32xf32, #tpu.memory_space<vmem>>) dst(%dma_wait3A_245 : memref<64x26x32xf32, #tpu.memory_space<hbm>>)
    return
  }
}

</mosaic_0001>

<sc_bundles>
// kernel: kernel.3.cloned.1.call-start
scs
__scs_entry_jumppad:
0x0: {  	(pc) =	sbr.rel $0x88, $3  }
0x1: {  	(tag) =	ssettag $0x0;
	lr =	simm.s32 $0x1  }
0x2: {  	[smem:$0x3F9F] =	sst lr;
	_ =	strace $0xD0000000  }
0x3: {  	_ = 	snop  }
0x4: {  	_ = 	snop  }
0x5: {  	_ = 	snop  }
0x6: {  	_ = 	snop  }
0x7: {  	_ = 	snop  }
__scs_overlays_trampoline_lowered:
0x8: {  	[smem:$0x3FAE] =	sst s0  }
0x9: {  	[smem:$0x3FAF] =	sst s1  }
0xa: {  	[smem:$0x3FB0] =	sst s2  }
0xb: {  	[smem:$0x3FB1] =	sst s3  }
0xc: {  	[smem:$0x3FB2] =	sst s4  }
0xd: {  	[smem:$0x3FB3] =	sst s5  }
0xe: {  	[smem:$0x3FB4] =	sst s6  }
0xf: {  	[smem:$0x3FB5] =	sst s7  }
0x10: {  	[smem:$0x3FB6] =	sst s8  }
0x11: {  	[smem:$0x3FB7] =	sst s9;
	s0 =	simm.s32 @!p0 $0x0  }
0x12: {  	s1 =	sld [smem:$0x3F9D];
	s0 =	simm.s32 @p0 $0x1  }
0x13: {  	[smem:$0x3FB8] =	sst s0;
	s0 =	simm.s32 @!p1 $0x0  }
0x14: {  	s2 =	sld [smem:$0x3F9C];
	s0 =	simm.s32 @p1 $0x1  }
0x15: {  	[smem:$0x3FB9] =	sst s0;
	s0 =	simm.s32 @!p2 $0x0  }
0x16: {  	s3 =	sld [smem:$0x3FDB];
	s0 =	simm.s32 @p2 $0x1  }
0x17: {  	s4 =	simm.s32 $0x1BF5;
	[smem:$0x3FBB] =	sst s0  }
0x18: {  	s0 =	sld [smem:$0x3F9E];
	_ =	swait.ge [sflag:s4], $0x0  }
0x19: {  	s7 =	sld [smem:$0x3F9F]  }
0x1a: {  	s8 =	sadd.s32 $0xFFFFE003, lr  }
0x1b: {  	s9 =	sadd.s32 $0xFFFFFEF7, lr;
	s5 =	simm.s32 $0xFFFFFFFF;
	p2 =	slt.u32 s8, $0xFFFFF086  }
0x1c: {  	p1 =	slt.u32 s9, $0xF7A;
	s5 =	simm.s32 @!p2 $0x0  }
0x1d: {  	s5 =	simm.s32 @p1 $0x1;
	p0 =	seq.s32 s7, s2  }
0x1e: {  	s7 =	smul.u32 @!p0 $0xF7A, s2;
	p2 =	seq.s32 @!p0 s5, $0x0  }
0x1f: {  	s9 =	smul.u32 $0xF7A, s1;
	s8 =	simm.s32 @!p0 $0x1BF5;
	p2 =	por !p2, p0  }
0x20: {  	[sflag:s8] =	ssyncset.s32 @!p0 $0xFFFFF086;
	s6 =	sadd.s32 @!p0 s3, s7;
	s7 =	simm.s32 @!p0 $0x108  }
0x21: {  	s3 =	sadd.s32 s3, s9;
	s6 =	sadd.s32 @!p0 $0x88, s6;
	s7 =	simm.s32 @p2 $0x1082  }
0x22: {  	[simem:s7], [sflag:s8] =	dma.local @!p0 [hbm:s6], $0xF7A  }
0x23: {  	s9 =	sor.u32 $0xD0000000, s2;
	s6 =	simm.s32 $0x108;
	_ =	swait.ge @!p0 [sflag:s8], $0x0  }
0x24: {  	s3 =	sadd.s32 $0x88, s3;
	s6 =	simm.s32 @!p1 $0x1082;
	[sflag:s4] =	ssyncset.s32 $0xFFFFF086  }
0x25: {  	[simem:s6], [sflag:s4] =	dma.local [hbm:s3], $0xF7A  }
0x26: {  	[smem:$0x3F9F] =	sst s1;
	(tag) =	ssettag s2;
	_ =	strace s9  }
0x27: {  	s1 =	sld [smem:$0x3FAF]  }
0x28: {  	s2 =	sld [smem:$0x3FB0]  }
0x29: {  	s4 =	sld [smem:$0x3FB2]  }
0x2a: {  	p0 =	seq.s32 s5, $0x0;
	s5 =	sld [smem:$0x3FB3]  }
0x2b: {  	s6 =	sld [smem:$0x3FB4]  }
0x2c: {  	s7 =	sld [smem:$0x3FB5]  }
0x2d: {  	s3 =	simm.s32 $0x108;
	s8 =	sld [smem:$0x3FB6]  }
0x2e: {  	s3 =	simm.s32 @!p0 $0x1082;
	s9 =	sld [smem:$0x3FB7]  }
0x2f: {  	lr =	sadd.s32 s0, s3;
	s0 =	sld [smem:$0x3FAE]  }
0x30: {  	s3 =	sld [smem:$0x3FB1]  }
0x31: {  	[smem:$0x3FBA] =	sst s10  }
0x32: {  	s10 =	sld [smem:$0x3FB8];
	_ =	sdelay $0x3  }
0x33: {  	p0 =	seq.s32 s10, $0x1;
	s10 =	sld [smem:$0x3FBA];
	_ =	sdelay $0x3  }
0x34: {  	[smem:$0x3FBA] =	sst s10  }
0x35: {  	s10 =	sld [smem:$0x3FB9];
	_ =	sdelay $0x3  }
0x36: {  	p1 =	seq.s32 s10, $0x1;
	s10 =	sld [smem:$0x3FBA];
	_ =	sdelay $0x3  }
0x37: {  	[smem:$0x3FBA] =	sst s10  }
0x38: {  	s10 =	sld [smem:$0x3FBB]  }
0x39: {  	_ = 	snop;
	(pc) =	sbr.ind lr, $3  }
0x3a: {  	_ = 	snop  }
0x3b: {  	_ = 	snop  }
0x3c: {  	p2 =	seq.s32 s10, $0x1;
	s10 =	sld [smem:$0x3FBA]  }
0x3d: {  	_ =	shalt  }
0x3e: {  	_ =	shalt  }
0x3f: {  	_ =	shalt  }
0x40: {  	_ =	shalt  }
0x41: {  	_ =	shalt  }
0x42: {  	_ =	shalt  }
0x43: {  	_ =	shalt  }
0x44: {  	_ =	shalt  }
0x45: {  	_ =	shalt  }
0x46: {  	_ =	shalt  }
0x47: {  	_ =	shalt  }
0x48: {  	_ =	shalt  }
0x49: {  	_ =	shalt  }
0x4a: {  	_ =	shalt  }
0x4b: {  	_ =	shalt  }
0x4c: {  	_ =	shalt  }
0x4d: {  	_ =	shalt  }
0x4e: {  	_ =	shalt  }
0x4f: {  	_ =	shalt  }
0x50: {  	_ =	shalt  }
0x51: {  	_ =	shalt  }
0x52: {  	_ =	shalt  }
0x53: {  	_ =	shalt  }
0x54: {  	_ =	shalt  }
0x55: {  	_ =	shalt  }
0x56: {  	_ =	shalt  }
0x57: {  	_ =	shalt  }
0x58: {  	_ =	shalt  }
0x59: {  	_ =	shalt  }
0x5a: {  	_ =	shalt  }
0x5b: {  	_ =	shalt  }
0x5c: {  	_ =	shalt  }
0x5d: {  	_ =	shalt  }
0x5e: {  	_ =	shalt  }
0x5f: {  	_ =	shalt  }
0x60: {  	_ =	shalt  }
0x61: {  	_ =	shalt  }
0x62: {  	_ =	shalt  }
0x63: {  	_ =	shalt  }
0x64: {  	_ =	shalt  }
0x65: {  	_ =	shalt  }
0x66: {  	_ =	shalt  }
0x67: {  	_ =	shalt  }
0x68: {  	_ =	shalt  }
0x69: {  	_ =	shalt  }
0x6a: {  	_ =	shalt  }
0x6b: {  	_ =	shalt  }
0x6c: {  	_ =	shalt  }
0x6d: {  	_ =	shalt  }
0x6e: {  	_ =	shalt  }
0x6f: {  	_ =	shalt  }
0x70: {  	_ =	shalt  }
0x71: {  	_ =	shalt  }
0x72: {  	_ =	shalt  }
0x73: {  	_ =	shalt  }
0x74: {  	_ =	shalt  }
0x75: {  	_ =	shalt  }
0x76: {  	_ =	shalt  }
0x77: {  	_ =	shalt  }
0x78: {  	_ =	shalt  }
0x79: {  	_ =	shalt  }
0x7a: {  	_ =	shalt  }
0x7b: {  	_ =	shalt  }
0x7c: {  	_ =	shalt  }
0x7d: {  	_ =	shalt  }
0x7e: {  	_ =	shalt  }
0x7f: {  	_ =	shalt  }
0x80: {  	_ =	shalt  }
0x81: {  	_ =	shalt  }
0x82: {  	_ =	shalt  }
0x83: {  	_ =	shalt  }
0x84: {  	_ =	shalt  }
0x85: {  	_ =	shalt  }
0x86: {  	_ =	shalt  }
0x87: {  	_ =	shalt  }
.Lfunc_end0:
.L_simem_size_0:
called_computation.1_lowered:
.L_overlay_start_0:
0x88: {  	s2 =	sld [smem:$0x3FD9]  }
0x89: {  	s3 =	sld [smem:$0x3FFE];
	_ =	sdelay $0x1  }
0x8a: {  	s1 =	srdreg.scid  }
0x8b: {  	s0 =	sand.u32 $0x1, s1  }
0x8c: {  	s17 =	sshll.u32 s0, $0xA;
	s2 =	sadd.s32 s3, s2  }
0x8d: {  	s2 =	sadd.s32 s2, s17  }
0x8e: {  	[smem:$0x3FC6] =	sst s2  }
0x8f: {  	_ = 	snop  }
0x90: {  	s2 =	sld [smem:$0x3FD0];
	(tm) =	ssettm $0x1  }
0x91: {  	s18 =	sld [smem:$0x3FFB];
	_ =	sdelay $0x3  }
0x92: {  	_ =	strace s18  }
0x93: {  	s3 =	sld [smem:$0x3FFC];
	_ =	sdelay $0x3  }
0x94: {  	_ =	strace s3  }
0x95: {  	s3 =	sld [smem:$0x3FFD];
	_ =	sdelay $0x3  }
0x96: {  	_ =	strace s3  }
0x97: {  	_ =	strace $0x8FFFFFFF  }
0x98: {  	s19 =	sld [smem:$0x3FDB];
	_ =	sdelay $0x1  }
0x99: {  	s4 =	simm.s32 $_scs_section_size  }
0x9a: {  	s5 =	simm.s32 $_size__tile_overlayer_lowered;
	s6 =	simm.s32 $_tile_overlayer_lowered  }
0x9b: {  	s22 =	simm.s32 $0x1BFF;
	s21 =	sshll.u32 s6, $0x1;
	s3 =	sadd.s32 s4, s19  }
0x9c: {  	s7 =	simm.s32 $0x0;
	s20 =	sshll.u32 s5, $0x1;
	s5 =	sadd.s32 s21, s3  }
0x9d: {  	[timem:s7], [sflag:s22] =	dma.local [hbm:s5], s20  }
0x9e: {  	_ =	swait.ge [sflag:s22], s20  }
0x9f: {  	s4 =	ssub.s32 $0x0, s20;
	[sflag:s22] =	ssyncset.done $0x0  }
0xa0: {  	[sflag:s22] =	ssyncadd.s32 s4;
	_ =	sdelay $0x1  }
0xa1: {  	s23 =	simm.s32 $0x1B8B  }
0xa2: {  	_ =	swait.ge [sflag:s23], $0x1  }
0xa3: {  	[sflag:s23] =	ssyncset.done $0x0  }
0xa4: {  	s25 =	simm.s32 $0x1B8E;
	s24 =	sld [smem:$0x3FFE];
	[sflag:s23] =	ssyncadd.s32 $0xFFFFFFFF  }
0xa5: {  	s26 =	simm.s32 $execute0_lowered;
	[smem:$0x3FD2] =	sst s25  }
0xa6: {  	s5 =	sshll.u32 s26, $0x1;
	_ =	strace $0x80000046;
	[dreg:$0x1] =	wrdreg $0xFFFFFFFF  }
0xa7: {  	s28 =	simm.s32 $_size_execute0_lowered;
	s3 =	sadd.s32 s3, s5;
	[dreg:$0x0] =	wrdreg $0x0  }
0xa8: {  	s5 =	sshll.u32 s28, $0x1;
	[dreg:$0x2] =	wrdreg s3  }
0xa9: {  	[dreg:$0x3] =	wrdreg s5  }
0xaa: {  	[dreg:$0x4] =	wrdreg $0xC0  }
0xab: {  	_ =	task [dreg:s7], $0x5FFFF  }
0xac: {  	[dreg:$0x1] =	wrdreg $0xFFFFFFFF  }
0xad: {  	[dreg:$0x0] =	wrdreg $0x60  }
0xae: {  	[dreg:$0x2] =	wrdreg s24  }
0xaf: {  	[dreg:$0x3] =	wrdreg s2  }
0xb0: {  	[dreg:$0x4] =	wrdreg $0x9  }
0xb1: {  	_ =	task.clear_ibuf [dreg:s7], $0x5FFFF;
	_ =	strace $0x90000046  }
0xb2: {  	s29 =	simm.s32 $0x9;
	_ =	strace $0x80000048  }
0xb3: {  	_ =	swait.ge [sflag:s29], $0x1  }
0xb4: {  	[sflag:s29] =	ssyncadd.s32 $0xFFFFFFFF  }
0xb5: {  	_ =	strace $0x90000048  }
0xb6: {  	_ =	sfence  }
0xb7: {  	s30 =	sld [smem:$0x0];
	_ =	sdelay $0x2  }
0xb8: {  	s31 =	sshll.u32 s1, $0xD;
	s1 =	sshrl.u32 s1, $0x2  }
0xb9: {  	s3 =	sand.u32 $0x4000, s31;
	s1 =	sadd.s32 s1, s30  }
0xba: {  	s0 =	sor.u32 s3, s0;
	s1 =	sshll.u32 s1, $0x11  }
0xbb: {  	s0 =	sor.u32 s1, s0  }
0xbc: {  	s0 =	sadd.s32 $0x8F2B, s0  }
0xbd: {  	[sflag:s0] =	ssyncadd.remote.s32 $0x1  }
0xbe: {  	_ =	sfence.sel $0xFFFF  }
0xbf: {  	[dreg:$0x0] =	wrdreg $0xFFFFFFFF;
	(pc) =	sbr.abs _section_cstart, $3  }
0xc0: {  	[dreg:$0x1] =	wrdreg $0xFFFFFFFF  }
0xc1: {  	_ =	task.clear_ibuf [dreg:s7], $0x2FFFF;
	_ =	strace $0x9FFFFFFF  }
0xc2: {  	(tm) =	ssettm $0x7FFFFFFF  }
0xc3: {  	_ =	shalt  }
tec
execute0_lowered:
.L_overlay_start_1:
0x0: {  	(tag) =	ssettag $0x1  }
0x1: {  	s0 =	rddreg [dreg:$0x0]  }
0x2: {  	s2 =	rddreg [dreg:$0x1];
	s1 =	simm.s32 $0x0;
	s4 =	srdreg.scid  }
0x3: {  	s6 =	stileid.u32;
	s28 =	simm.s32 $0x4;
	s31 =	simm.s32 $0x0  }
0x4: {  	[smem:$0x7FF] =	sst s1;
	s3 =	sadd.s32 $0xF42E00, s0;
	s4 =	sand.u32 $0x1, s4  }
0x5: {  	s6 =	sshll.u32 s6, $0xA;
	s5 =	ssub.s32 $0x2, s4;
	s4 =	sshll.u32 s4, $0x9  }
0x6: {  	s0 =	sadd.s32 $0xA00, s0;
	s7 =	sshrl.u32 s5, $0x1;
	s15 =	sor.u32 s4, s6  }
0x7: {  	_ =	strace $0x80000047;
	s20 =	ssub.s32 s5, s7;
	s4 =	sshll.u32 s15, $0x2  }
0x8: {  	s6 =	sor.u32 $0x40, s15;
	s23 =	smul.u32 $0x68, s15;
	s8 =	sor.u32 $0x80, s15  }
0x9: {  	s11 =	sor.u32 $0xC0, s15;
	s25 =	sor.u32 $0x100, s15;
	s9 =	smul.u32 $0x68, s6  }
0xa: {  	s16 =	sor.u32 $0x140, s15;
	s29 =	sor.u32 $0x180, s15;
	s12 =	smul.u32 $0x68, s8  }
0xb: {  	s19 =	sor.u32 $0x1C0, s15;
	s4 =	sadd.s32 s0, s4;
	s13 =	smul.u32 $0x68, s11  }
0xc: {  	s22 =	sshll.u32 s6, $0x2;
	s10 =	sshll.u32 s8, $0x2;
	s17 =	smul.u32 $0x68, s25  }
0xd: {  	s24 =	sshll.u32 s11, $0x2;
	s14 =	sshll.u32 s16, $0x2;
	s16 =	smul.u32 $0x68, s16  }
0xe: {  	s26 =	sshll.u32 s25, $0x2;
	s18 =	sshll.u32 s29, $0x2;
	s21 =	smul.u32 $0x68, s29  }
0xf: {  	s30 =	sshll.u32 s19, $0x2;
	s19 =	smul.u32 $0x68, s19;
	s20 =	smax.u32 s20, $0x1  }
0x10: {  	s25 =	simm.s32 $0x3;
	s5 =	sadd.s32 s0, s22;
	s6 =	sadd.s32 s2, s23  }
0x11: {  	s7 =	sadd.s32 s0, s10;
	s11 =	sadd.s32 s0, s26;
	s15 =	sadd.s32 s0, s18  }
0x12: {  	s22 =	simm.s32 $0x1A;
	s23 =	simm.s32 $0x800;
	s26 =	simm.s32 $0x2  }
0x13: {  	s8 =	sadd.s32 s2, s9;
	s9 =	sadd.s32 s0, s24;
	s10 =	sadd.s32 s2, s12  }
0x14: {  	s12 =	sadd.s32 s2, s13;
	s13 =	sadd.s32 s0, s14;
	s14 =	sadd.s32 s2, s17  }
0x15: {  	s16 =	sadd.s32 s2, s16;
	s17 =	sadd.s32 s0, s30;
	s18 =	sadd.s32 s2, s21  }
0x16: {  	s19 =	sadd.s32 s2, s19;
	s21 =	simm.s32 $0x5;
	s24 =	simm.s32 $0x1  }
.LBB2_1:
0x17: {  	[tilespmem:s1], [sflag:$0x5] =	stream.linear.gather [hbm4b:s4+s1], $0x800, $0x38;
	[tilespmem:$0x1B000] =	vst v63  }
0x18: {  	_ =	swait.ge [sflag:s21], $0x800  }
0x19: {  	s0 =	simm.s32 $0x80;
	s30 =	simm.s32 $0x0;
	[sflag:s21] =	ssyncset.done $0x0  }
0x1a: {  	s2 =	simm.s32 $0x1340;
	s29 =	simm.s32 $0x1000;
	[sflag:s21] =	ssyncadd.s32 $0xFFFFF800  }
.LBB2_2:
0x1b: {  	[tilespmem:s29], [sflag:$0x1] =	stream.indirect.gather [hbm4b:s3+s22], $0x20, s30, s22, $0xb8;
	[tilespmem:$0x1B000] =	vst v63  }
0x1c: {  	s30 =	smov.u32 s0;
	s29 =	smov.u32 s2;
	p0 =	sne.s32 s0, $0x1F80  }
.Ltmp0:
0x1d: {  	s0 =	sadd.s32 $0x80, s0;
	(pc) =	sbr.rel @p0 .LBB2_2-.Ltmp0, $2  }
0x1e: {  	_ =	sdelay $0x2  }
0x1f: {  	s2 =	sadd.s32 $0x340, s2;
	s30 =	sshra.s32 s30, $0x2  }
0x20: {  	[tilespmem:s29], [sflag:$0x1] =	stream.indirect.gather [hbm4b:s3+s22], $0x20, s30, s22, $0xb8;
	[tilespmem:$0x1B000] =	vst v63  }
0x21: {  	s0 =	simm.s32 $0x0  }
0x22: {  	[tilespmem:s23], [sflag:$0x5] =	stream.linear.gather [hbm4b:s5+s0], $0x800, $0x38;
	[tilespmem:$0x1B000] =	vst v63  }
0x23: {  	_ =	swait.ge [sflag:s21], $0x800  }
0x24: {  	[sflag:s21] =	ssyncset.done $0x0  }
0x25: {  	s2 =	simm.s32 $0x800;
	s0 =	simm.s32 $0xE000;
	[sflag:s21] =	ssyncadd.s32 $0xFFFFF800  }
0x26: {  	[tilespmem:s0], [sflag:$0x2] =	stream.indirect.gather [hbm4b:s3+s22], $0x20, s2, s22, $0xb8;
	[tilespmem:$0x1B000] =	vst v63  }
0x27: {  	s2 =	simm.s32 $0x80  }
.LBB2_4:
0x28: {  	p0 =	sne.s32 s2, $0x1F80  }
.Ltmp1:
0x29: {  	_ = 	snop;
	(pc) =	sbr.rel @p0 .LBB2_4-.Ltmp1, $4  }
0x2a: {  	_ = 	snop  }
0x2b: {  	s29 =	sshra.s32 s2, $0x2;
	s2 =	sadd.s32 $0x80, s2  }
0x2c: {  	s0 =	sadd.s32 $0x340, s0;
	s29 =	sadd.s32 $0x800, s29  }
0x2d: {  	[tilespmem:s0], [sflag:$0x2] =	stream.indirect.gather [hbm4b:s3+s22], $0x20, s29, s22, $0xb8;
	[tilespmem:$0x1B000] =	vst v63  }
0x2e: {  	_ =	swait.ge [sflag:s24], $0xD000  }
0x2f: {  	[sflag:s24] =	ssyncset.done $0x0  }
0x30: {  	s2 =	simm.s32 $0x0;
	s0 =	simm.s32 $0x1000;
	[sflag:s24] =	ssyncadd.s32 $0xFFFF3000  }
0x31: {  	[hbm4b:s6+s2] =	stream.linear.scatter [tilespmem:s0], [sflag:$0x3], $0xD000, $0x38;
	[tilespmem:$0x1B000] =	vst v63  }
0x32: {  	_ = 	snop  }
0x33: {  	[tilespmem:s2], [sflag:$0x5] =	stream.linear.gather [hbm4b:s7+s2], $0x800, $0x38;
	[tilespmem:$0x1B000] =	vst v63  }
0x34: {  	_ =	swait.ge [sflag:s21], $0x800  }
0x35: {  	[sflag:s21] =	ssyncset.done $0x0  }
0x36: {  	[sflag:s21] =	ssyncadd.s32 $0xFFFFF800  }
0x37: {  	_ =	swait.ge [sflag:s25], $0xD000  }
0x38: {  	s30 =	simm.s32 $0x0;
	[sflag:s25] =	ssyncset.done $0x0  }
0x39: {  	s29 =	simm.s32 $0x1340;
	s2 =	simm.s32 $0x80;
	[sflag:s25] =	ssyncadd.s32 $0xFFFF3000  }
.LBB2_6:
0x3a: {  	[tilespmem:s0], [sflag:$0x1] =	stream.indirect.gather [hbm4b:s3+s22], $0x20, s30, s22, $0xb8;
	[tilespmem:$0x1B000] =	vst v63  }
0x3b: {  	s30 =	smov.u32 s2;
	s0 =	smov.u32 s29;
	p0 =	sne.s32 s2, $0x1F80  }
.Ltmp2:
0x3c: {  	s2 =	sadd.s32 $0x80, s2;
	(pc) =	sbr.rel @p0 .LBB2_6-.Ltmp2, $2  }
0x3d: {  	_ =	sdelay $0x2  }
0x3e: {  	s29 =	sadd.s32 $0x340, s29;
	s30 =	sshra.s32 s30, $0x2  }
0x3f: {  	[tilespmem:s0], [sflag:$0x1] =	stream.indirect.gather [hbm4b:s3+s22], $0x20, s30, s22, $0xb8;
	[tilespmem:$0x1B000] =	vst v63  }
0x40: {  	_ =	swait.ge [sflag:s26], $0xD000  }
0x41: {  	[sflag:s26] =	ssyncset.done $0x0  }
0x42: {  	s2 =	simm.s32 $0x0;
	s0 =	simm.s32 $0xE000;
	[sflag:s26] =	ssyncadd.s32 $0xFFFF3000  }
0x43: {  	[hbm4b:s8+s2] =	stream.linear.scatter [tilespmem:s0], [sflag:$0x4], $0xD000, $0x38;
	[tilespmem:$0x1B000] =	vst v63  }
0x44: {  	_ = 	snop  }
0x45: {  	[tilespmem:s23], [sflag:$0x5] =	stream.linear.gather [hbm4b:s9+s2], $0x800, $0x38;
	[tilespmem:$0x1B000] =	vst v63  }
0x46: {  	_ =	swait.ge [sflag:s21], $0x800  }
0x47: {  	[sflag:s21] =	ssyncset.done $0x0  }
0x48: {  	[sflag:s21] =	ssyncadd.s32 $0xFFFFF800  }
0x49: {  	_ =	swait.ge [sflag:s28], $0xD000  }
0x4a: {  	[sflag:s28] =	ssyncset.done $0x0  }
0x4b: {  	s30 =	simm.s32 $0x800;
	s2 =	simm.s32 $0x80;
	[sflag:s28] =	ssyncadd.s32 $0xFFFF3000  }
0x4c: {  	[tilespmem:s0], [sflag:$0x2] =	stream.indirect.gather [hbm4b:s3+s22], $0x20, s30, s22, $0xb8;
	[tilespmem:$0x1B000] =	vst v63  }
.LBB2_8:
0x4d: {  	p0 =	sne.s32 s2, $0x1F80  }
.Ltmp3:
0x4e: {  	_ = 	snop;
	(pc) =	sbr.rel @p0 .LBB2_8-.Ltmp3, $4  }
0x4f: {  	_ = 	snop  }
0x50: {  	s29 =	sshra.s32 s2, $0x2;
	s2 =	sadd.s32 $0x80, s2  }
0x51: {  	s0 =	sadd.s32 $0x340, s0;
	s29 =	sadd.s32 $0x800, s29  }
0x52: {  	[tilespmem:s0], [sflag:$0x2] =	stream.indirect.gather [hbm4b:s3+s22], $0x20, s29, s22, $0xb8;
	[tilespmem:$0x1B000] =	vst v63  }
0x53: {  	_ =	swait.ge [sflag:s24], $0xD000  }
0x54: {  	[sflag:s24] =	ssyncset.done $0x0  }
0x55: {  	s2 =	simm.s32 $0x0;
	s0 =	simm.s32 $0x1000;
	[sflag:s24] =	ssyncadd.s32 $0xFFFF3000  }
0x56: {  	[hbm4b:s10+s2] =	stream.linear.scatter [tilespmem:s0], [sflag:$0x3], $0xD000, $0x38;
	[tilespmem:$0x1B000] =	vst v63  }
0x57: {  	_ = 	snop  }
0x58: {  	[tilespmem:s2], [sflag:$0x5] =	stream.linear.gather [hbm4b:s11+s2], $0x800, $0x38;
	[tilespmem:$0x1B000] =	vst v63  }
0x59: {  	_ =	swait.ge [sflag:s21], $0x800  }
0x5a: {  	[sflag:s21] =	ssyncset.done $0x0  }
0x5b: {  	[sflag:s21] =	ssyncadd.s32 $0xFFFFF800  }
0x5c: {  	_ =	swait.ge [sflag:s25], $0xD000  }
0x5d: {  	s30 =	simm.s32 $0x0;
	[sflag:s25] =	ssyncset.done $0x0  }
0x5e: {  	s29 =	simm.s32 $0x1340;
	s2 =	simm.s32 $0x80;
	[sflag:s25] =	ssyncadd.s32 $0xFFFF3000  }
.LBB2_10:
0x5f: {  	[tilespmem:s0], [sflag:$0x1] =	stream.indirect.gather [hbm4b:s3+s22], $0x20, s30, s22, $0xb8;
	[tilespmem:$0x1B000] =	vst v63  }
0x60: {  	s30 =	smov.u32 s2;
	s0 =	smov.u32 s29;
	p0 =	sne.s32 s2, $0x1F80  }
.Ltmp4:
0x61: {  	s2 =	sadd.s32 $0x80, s2;
	(pc) =	sbr.rel @p0 .LBB2_10-.Ltmp4, $2  }
0x62: {  	_ =	sdelay $0x2  }
0x63: {  	s29 =	sadd.s32 $0x340, s29;
	s30 =	sshra.s32 s30, $0x2  }
0x64: {  	[tilespmem:s0], [sflag:$0x1] =	stream.indirect.gather [hbm4b:s3+s22], $0x20, s30, s22, $0xb8;
	[tilespmem:$0x1B000] =	vst v63  }
0x65: {  	_ =	swait.ge [sflag:s26], $0xD000  }
0x66: {  	[sflag:s26] =	ssyncset.done $0x0  }
0x67: {  	s2 =	simm.s32 $0x0;
	s0 =	simm.s32 $0xE000;
	[sflag:s26] =	ssyncadd.s32 $0xFFFF3000  }
0x68: {  	[hbm4b:s12+s2] =	stream.linear.scatter [tilespmem:s0], [sflag:$0x4], $0xD000, $0x38;
	[tilespmem:$0x1B000] =	vst v63  }
0x69: {  	_ = 	snop  }
0x6a: {  	[tilespmem:s23], [sflag:$0x5] =	stream.linear.gather [hbm4b:s13+s2], $0x800, $0x38;
	[tilespmem:$0x1B000] =	vst v63  }
0x6b: {  	_ =	swait.ge [sflag:s21], $0x800  }
0x6c: {  	[sflag:s21] =	ssyncset.done $0x0  }
0x6d: {  	[sflag:s21] =	ssyncadd.s32 $0xFFFFF800  }
0x6e: {  	_ =	swait.ge [sflag:s28], $0xD000  }
0x6f: {  	[sflag:s28] =	ssyncset.done $0x0  }
0x70: {  	s30 =	simm.s32 $0x800;
	s2 =	simm.s32 $0x80;
	[sflag:s28] =	ssyncadd.s32 $0xFFFF3000  }
0x71: {  	[tilespmem:s0], [sflag:$0x2] =	stream.indirect.gather [hbm4b:s3+s22], $0x20, s30, s22, $0xb8;
	[tilespmem:$0x1B000] =	vst v63  }
.LBB2_12:
0x72: {  	p0 =	sne.s32 s2, $0x1F80  }
.Ltmp5:
0x73: {  	_ = 	snop;
	(pc) =	sbr.rel @p0 .LBB2_12-.Ltmp5, $4  }
0x74: {  	_ = 	snop  }
0x75: {  	s29 =	sshra.s32 s2, $0x2;
	s2 =	sadd.s32 $0x80, s2  }
0x76: {  	s0 =	sadd.s32 $0x340, s0;
	s29 =	sadd.s32 $0x800, s29  }
0x77: {  	[tilespmem:s0], [sflag:$0x2] =	stream.indirect.gather [hbm4b:s3+s22], $0x20, s29, s22, $0xb8;
	[tilespmem:$0x1B000] =	vst v63  }
0x78: {  	_ =	swait.ge [sflag:s24], $0xD000  }
0x79: {  	[sflag:s24] =	ssyncset.done $0x0  }
0x7a: {  	s2 =	simm.s32 $0x0;
	s0 =	simm.s32 $0x1000;
	[sflag:s24] =	ssyncadd.s32 $0xFFFF3000  }
0x7b: {  	[hbm4b:s14+s2] =	stream.linear.scatter [tilespmem:s0], [sflag:$0x3], $0xD000, $0x38;
	[tilespmem:$0x1B000] =	vst v63  }
0x7c: {  	_ = 	snop  }
0x7d: {  	[tilespmem:s2], [sflag:$0x5] =	stream.linear.gather [hbm4b:s15+s2], $0x800, $0x38;
	[tilespmem:$0x1B000] =	vst v63  }
0x7e: {  	_ =	swait.ge [sflag:s21], $0x800  }
0x7f: {  	[sflag:s21] =	ssyncset.done $0x0  }
0x80: {  	[sflag:s21] =	ssyncadd.s32 $0xFFFFF800  }
0x81: {  	_ =	swait.ge [sflag:s25], $0xD000  }
0x82: {  	s30 =	simm.s32 $0x0;
	[sflag:s25] =	ssyncset.done $0x0  }
0x83: {  	s29 =	simm.s32 $0x1340;
	s2 =	simm.s32 $0x80;
	[sflag:s25] =	ssyncadd.s32 $0xFFFF3000  }
.LBB2_14:
0x84: {  	[tilespmem:s0], [sflag:$0x1] =	stream.indirect.gather [hbm4b:s3+s22], $0x20, s30, s22, $0xb8;
	[tilespmem:$0x1B000] =	vst v63  }
0x85: {  	s30 =	smov.u32 s2;
	s0 =	smov.u32 s29;
	p0 =	sne.s32 s2, $0x1F80  }
.Ltmp6:
0x86: {  	s2 =	sadd.s32 $0x80, s2;
	(pc) =	sbr.rel @p0 .LBB2_14-.Ltmp6, $2  }
0x87: {  	_ =	sdelay $0x2  }
0x88: {  	s29 =	sadd.s32 $0x340, s29;
	s30 =	sshra.s32 s30, $0x2  }
0x89: {  	[tilespmem:s0], [sflag:$0x1] =	stream.indirect.gather [hbm4b:s3+s22], $0x20, s30, s22, $0xb8;
	[tilespmem:$0x1B000] =	vst v63  }
0x8a: {  	_ =	swait.ge [sflag:s26], $0xD000  }
0x8b: {  	[sflag:s26] =	ssyncset.done $0x0  }
0x8c: {  	s2 =	simm.s32 $0x0;
	s0 =	simm.s32 $0xE000;
	[sflag:s26] =	ssyncadd.s32 $0xFFFF3000  }
0x8d: {  	[hbm4b:s16+s2] =	stream.linear.scatter [tilespmem:s0], [sflag:$0x4], $0xD000, $0x38;
	[tilespmem:$0x1B000] =	vst v63  }
0x8e: {  	_ = 	snop  }
0x8f: {  	[tilespmem:s23], [sflag:$0x5] =	stream.linear.gather [hbm4b:s17+s2], $0x800, $0x38;
	[tilespmem:$0x1B000] =	vst v63  }
0x90: {  	_ =	swait.ge [sflag:s21], $0x800  }
0x91: {  	[sflag:s21] =	ssyncset.done $0x0  }
0x92: {  	[sflag:s21] =	ssyncadd.s32 $0xFFFFF800  }
0x93: {  	_ =	swait.ge [sflag:s28], $0xD000  }
0x94: {  	[sflag:s28] =	ssyncset.done $0x0  }
0x95: {  	s30 =	simm.s32 $0x800;
	s2 =	simm.s32 $0x80;
	[sflag:s28] =	ssyncadd.s32 $0xFFFF3000  }
0x96: {  	[tilespmem:s0], [sflag:$0x2] =	stream.indirect.gather [hbm4b:s3+s22], $0x20, s30, s22, $0xb8;
	[tilespmem:$0x1B000] =	vst v63  }
.LBB2_16:
0x97: {  	p0 =	sne.s32 s2, $0x1F80  }
.Ltmp7:
0x98: {  	_ = 	snop;
	(pc) =	sbr.rel @p0 .LBB2_16-.Ltmp7, $4  }
0x99: {  	_ = 	snop  }
0x9a: {  	s29 =	sshra.s32 s2, $0x2;
	s2 =	sadd.s32 $0x80, s2  }
0x9b: {  	s0 =	sadd.s32 $0x340, s0;
	s29 =	sadd.s32 $0x800, s29  }
0x9c: {  	[tilespmem:s0], [sflag:$0x2] =	stream.indirect.gather [hbm4b:s3+s22], $0x20, s29, s22, $0xb8;
	[tilespmem:$0x1B000] =	vst v63  }
0x9d: {  	_ =	swait.ge [sflag:s24], $0xD000  }
0x9e: {  	[sflag:s24] =	ssyncset.done $0x0  }
0x9f: {  	s0 =	simm.s32 $0x1000;
	[sflag:s24] =	ssyncadd.s32 $0xFFFF3000  }
0xa0: {  	[hbm4b:s18+s1] =	stream.linear.scatter [tilespmem:s0], [sflag:$0x3], $0xD000, $0x38;
	[tilespmem:$0x1B000] =	vst v63  }
0xa1: {  	_ =	swait.ge [sflag:s26], $0xD000  }
0xa2: {  	[sflag:s26] =	ssyncset.done $0x0  }
0xa3: {  	s30 =	simm.s32 $0xE000;
	s31 =	sadd.s32 $0x1, s31;
	[sflag:s26] =	ssyncadd.s32 $0xFFFF3000  }
0xa4: {  	[hbm4b:s19+s1] =	stream.linear.scatter [tilespmem:s30], [sflag:$0x4], $0xD000, $0x38;
	[tilespmem:$0x1B000] =	vst v63  }
0xa5: {  	p0 =	sne.s32 s31, s20;
	_ =	swait.ge [sflag:s25], $0xD000  }
.Ltmp8:
0xa6: {  	[sflag:s25] =	ssyncset.done $0x0;
	(pc) =	sbr.rel @p0 .LBB2_1-.Ltmp8, $4  }
0xa7: {  	[sflag:s25] =	ssyncadd.s32 $0xFFFF3000  }
0xa8: {  	_ =	swait.ge [sflag:s28], $0xD000  }
0xa9: {  	[sflag:s28] =	ssyncset.done $0x0  }
0xaa: {  	[sflag:s28] =	ssyncadd.s32 $0xFFFF3000  }
0xab: {  	_ =	sfence.sel $0x180000  }
0xac: {  	[bflag:$0x0] =	sbarrier.arrive $0xFFFF  }
0xad: {  	_ =	strace $0x90000047  }
0xae: {  	s0 =	stileid.u32;
	[bflag:$0x2] =	sbarrier.arrive $0xFFFF  }
0xaf: {  	p0 =	sne.s32 s0, $0x0;
	s0 =	rddreg [dreg:$0x2]  }
0xb0: {  	s0 =	sadd.s32 @!p0 $0x100000, s0  }
0xb1: {  	[sflag:s0] =	ssyncadd.tile.s32 @!p0 $0x1;
	_ =	shalt  }
.Lfunc_end2:
_tile_overlayer_lowered:
.L_overlay_start_2:
0xb2: {  	(tag) =	ssettag $0x2  }
0xb3: {  	s0 =	rddreg [dreg:$0x0];
	s2 =	stileid.u32  }
0xb4: {  	s1 =	rddreg [dreg:$0x1];
	p0 =	sne.s32 s2, $0x0  }
0xb5: {  	s3 =	rddreg [dreg:$0x2];
	[bflag:$0x3] =	sbarrier.arrive $0xFFFF;
	s2 =	simm.s32 @!p0 $0x1C05  }
0xb6: {  	[timem:s3], [sflag:s2] =	dma.local @!p0 [hbm:s0], s1  }
0xb7: {  	s0 =	simm.s32 @!p0 $0x5  }
0xb8: {  	_ =	swait.ge @!p0 [sflag:s0], s1  }
0xb9: {  	s1 =	ssub.s32 @!p0 $0x0, s1;
	[sflag:s0] =	ssyncset.done @!p0 $0x0  }
0xba: {  	[sflag:s0] =	ssyncadd.s32 @!p0 s1  }
0xbb: {  	[bflag:$0x3] =	sbarrier.arrive $0xFFFF  }
0xbc: {  	_ =	shalt  }

// kernel: sparse-core-data-format-call.cloned.1.call-start
scs
called_computation_lowered:
.L_overlay_start_0:
0x0: {  	s2 =	sld [smem:$0x3FD9]  }
0x1: {  	s3 =	sld [smem:$0x3FFE];
	_ =	sdelay $0x1  }
0x2: {  	s1 =	srdreg.scid  }
0x3: {  	s0 =	sand.u32 $0x1, s1  }
0x4: {  	s18 =	sshll.u32 s0, $0xA;
	s2 =	sadd.s32 s3, s2  }
0x5: {  	s2 =	sadd.s32 s2, s18  }
0x6: {  	[smem:$0x3FC6] =	sst s2  }
0x7: {  	_ = 	snop  }
0x8: {  	s2 =	sld [smem:$0x3FD0];
	(tm) =	ssettm $0x1  }
0x9: {  	s19 =	sld [smem:$0x3FFB];
	_ =	sdelay $0x3  }
0xa: {  	_ =	strace s19  }
0xb: {  	s3 =	sld [smem:$0x3FFC];
	_ =	sdelay $0x3  }
0xc: {  	_ =	strace s3  }
0xd: {  	s3 =	sld [smem:$0x3FFD];
	_ =	sdelay $0x3  }
0xe: {  	_ =	strace s3  }
0xf: {  	_ =	strace $0x8FFFFFFF  }
0x10: {  	s20 =	sld [smem:$0x3FDB];
	_ =	sdelay $0x1  }
0x11: {  	s4 =	simm.s32 $_scs_section_size  }
0x12: {  	s5 =	simm.s32 $_size__tile_overlayer_lowered;
	s6 =	simm.s32 $_tile_overlayer_lowered  }
0x13: {  	s23 =	simm.s32 $0x1BFF;
	s22 =	sshll.u32 s6, $0x1;
	s3 =	sadd.s32 s4, s20  }
0x14: {  	s7 =	simm.s32 $0x0;
	s21 =	sshll.u32 s5, $0x1;
	s5 =	sadd.s32 s22, s3  }
0x15: {  	[timem:s7], [sflag:s23] =	dma.local [hbm:s5], s21  }
0x16: {  	_ =	swait.ge [sflag:s23], s21  }
0x17: {  	s4 =	ssub.s32 $0x0, s21;
	[sflag:s23] =	ssyncset.done $0x0  }
0x18: {  	[sflag:s23] =	ssyncadd.s32 s4;
	_ =	sdelay $0x1  }
0x19: {  	s24 =	simm.s32 $0x1B8B  }
0x1a: {  	_ =	swait.ge [sflag:s24], $0x1  }
0x1b: {  	[sflag:s24] =	ssyncset.done $0x0  }
0x1c: {  	s26 =	simm.s32 $0x1B8E;
	s25 =	sld [smem:$0x3FFE];
	[sflag:s24] =	ssyncadd.s32 $0xFFFFFFFF  }
0x1d: {  	s27 =	simm.s32 $execute0_lowered;
	[smem:$0x3FD2] =	sst s26  }
0x1e: {  	s5 =	sshll.u32 s27, $0x1;
	_ =	strace $0x80000049;
	[dreg:$0x1] =	wrdreg $0xFFFFFFFF  }
0x1f: {  	s28 =	simm.s32 $_size_execute0_lowered;
	s3 =	sadd.s32 s3, s5;
	[dreg:$0x0] =	wrdreg $0x0  }
0x20: {  	s5 =	sshll.u32 s28, $0x1;
	[dreg:$0x2] =	wrdreg s3  }
0x21: {  	[dreg:$0x3] =	wrdreg s5  }
0x22: {  	[dreg:$0x4] =	wrdreg $0xC0  }
0x23: {  	_ =	task [dreg:s7], $0x5FFFF  }
0x24: {  	[dreg:$0x1] =	wrdreg $0xFFFFFFFF  }
0x25: {  	[dreg:$0x0] =	wrdreg $0x60  }
0x26: {  	[dreg:$0x2] =	wrdreg s25  }
0x27: {  	[dreg:$0x3] =	wrdreg s2  }
0x28: {  	[dreg:$0x4] =	wrdreg $0x9  }
0x29: {  	_ =	task.clear_ibuf [dreg:s7], $0x5FFFF;
	_ =	strace $0x90000049  }
0x2a: {  	s29 =	simm.s32 $0x9;
	_ =	strace $0x8000004B  }
0x2b: {  	_ =	swait.ge [sflag:s29], $0x1  }
0x2c: {  	[sflag:s29] =	ssyncadd.s32 $0xFFFFFFFF  }
0x2d: {  	_ =	strace $0x9000004B  }
0x2e: {  	_ =	sfence  }
0x2f: {  	s30 =	sld [smem:$0x0];
	_ =	sdelay $0x2  }
0x30: {  	s31 =	sshll.u32 s1, $0xD;
	s1 =	sshrl.u32 s1, $0x2  }
0x31: {  	s3 =	sand.u32 $0x4000, s31;
	s1 =	sadd.s32 s1, s30  }
0x32: {  	s0 =	sor.u32 s3, s0;
	s1 =	sshll.u32 s1, $0x11  }
0x33: {  	s0 =	sor.u32 s1, s0  }
0x34: {  	s0 =	sadd.s32 $0x8F2B, s0  }
0x35: {  	[sflag:s0] =	ssyncadd.remote.s32 $0x1  }
0x36: {  	_ =	sfence.sel $0xFFFF  }
0x37: {  	[dreg:$0x0] =	wrdreg $0xFFFFFFFF;
	(pc) =	sbr.abs _section_cstart, $3  }
0x38: {  	[dreg:$0x1] =	wrdreg $0xFFFFFFFF  }
0x39: {  	_ =	task.clear_ibuf [dreg:s7], $0x2FFFF;
	_ =	strace $0x9FFFFFFF  }
0x3a: {  	(tm) =	ssettm $0x7FFFFFFF  }
0x3b: {  	_ =	shalt  }
tec
execute0_lowered:
.L_overlay_start_1:
0x0: {  	(tag) =	ssettag $0x1  }
0x1: {  	s0 =	srdreg.scid  }
0x2: {  	s1 =	sshll.u32 s0, $0x4  }
0x3: {  	s0 =	stileid.u32;
	s1 =	sand.u32 $0x10, s1  }
0x4: {  	s1 =	sor.u32 s0, s1  }
0x5: {  	s6 =	rddreg [dreg:$0x0];
	s4 =	simm.s32 $0x1;
	s2 =	sshll.u32 s1, $0x7  }
0x6: {  	s7 =	simm.s32 $0x2;
	s12 =	simm.s32 $0x0;
	s1 =	ssub.s32 $0x4000, s2  }
0x7: {  	s8 =	simm.s32 $0x20000;
	s13 =	simm.s32 $0x0;
	s3 =	sand.u32 $0xF80, s1  }
0x8: {  	s9 =	simm.s32 $0x0;
	s5 =	sshrl.u32 s1, $0xC;
	p0 =	sne.s32 s3, $0x0  }
.Ltmp0:
0x9: {  	s1 =	rddreg [dreg:$0x2];
	s4 =	simm.s32 @!p0 $0x0;
	(pc) =	sbr.rel .LBB1_1-.Ltmp0, $4  }
0xa: {  	s11 =	simm.s32 $0x0;
	s3 =	rddreg [dreg:$0x1];
	s5 =	sadd.s32 s4, s5  }
0xb: {  	_ =	strace $0x8000004A;
	s4 =	simm.s32 $0x1;
	s5 =	smul.u32 $0x1A, s5  }
0xc: {  	s6 =	sadd.s32 $0xA00, s6;
	s10 =	smov.u32 s2;
	[sflag:s4] =	ssyncpa.u1 $0x0  }
0xd: {  	p0 =	por $0x0, $0x0;
	[sflag:s7] =	ssyncpa.u1 $0x0;
	s7 =	sor.u32 $0x1, s5  }
.LBB1_4:
0xe: {  	s16 =	sshll.u32 s13, $0x3;
	s17 =	sand.u32 $0x78, s13  }
0xf: {  	s30 =	sand.u32 $0xF800, s13;
	s12 =	sshll.u32 s12, $0x10;
	s16 =	sand.u32 $0x3C00, s16  }
0x10: {  	s31 =	sand.u32 $0x7, s13;
	s16 =	sor.u32 s17, s16;
	s17 =	sadd.s32 s3, s30  }
0x11: {  	s13 =	sshll.u32 s31, $0x12;
	s16 =	sshrl.u32 s16, $0x3;
	s12 =	sadd.s32 s12, s17  }
0x12: {  	[tilespmem:s15+$0x0 ss:$0x81] =	vst.msk $0xffff, v0;
	s13 =	sor.u32 $0x400, s13;
	s12 =	sadd.s32 s16, s12  }
0x13: {  	[hbm4b:s12+s13] =	stream.strided.scatter [tilespmem:s14], [sflag:$0x2], $0x1000, s8, s13, $0x20;
	[tilespmem:$0x4040] =	vst v63  }
.LBB1_5:
0x14: {  	s14 =	sadd.s32 $0x1, s9  }
0x15: {  	s12 =	sadd.s32 $0x1000, s10;
	s16 =	smov.u32 s10;
	p2 =	sgt.s32 s14, $0x19  }
0x16: {  	s16 =	smov.u32 @p2 s12  }
0x17: {  	s14 =	simm.s32 @p2 $0x0;
	p2 =	sgt.s32 s16, $0x3FFF  }
0x18: {  	s16 =	smov.u32 @p2 s2;
	p2 =	sne.s32 s11, s7  }
.Ltmp1:
0x19: {  	p1 =	slt.u32 s11, $0x2;
	(pc) =	sbr.rel @!p2 .LBB1_6-.Ltmp1, $4  }
0x1a: {  	s15 =	simm.s32 @!p1 $0x2  }
0x1b: {  	s13 =	smov.u32 s10;
	p0 =	por !p0, !p0;
	_ =	swait.ge @!p1 [sflag:s15], $0x1000  }
0x1c: {  	s12 =	smov.u32 s9;
	[sflag:s15] =	ssyncset.done @!p1 $0x0;
	s9 =	smov.u32 s14  }
0x1d: {  	s11 =	sadd.s32 $0x1, s11;
	[sflag:s15] =	ssyncadd.s32 @!p1 $0xFFFFF000;
	s10 =	smov.u32 s16  }
.LBB1_1:
0x1e: {  	p1 =	sge.u32 s11, s5  }
0x1f: {  	s31 =	sadd.s32 $0xFFFFFFFF, s11;
	s14 =	sxor.u32 @!p1 $0xFFFFFFFF, s11  }
0x20: {  	s15 =	sshll.u32 @!p1 s10, $0x9;
	s16 =	sshll.u32 @!p1 s9, $0x4;
	s17 =	simm.s32 @!p1 $0x1000  }
0x21: {  	s14 =	sshll.u32 @!p1 s14, $0xC;
	s16 =	sand.u32 @!p1 $0x1F0, s16;
	s15 =	sadd.s32 @!p1 s6, s15  }
0x22: {  	s14 =	sand.u32 @!p1 $0x1000, s14;
	s15 =	sadd.s32 @!p1 s16, s15;
	s16 =	simm.s32 @!p1 $0x20  }
0x23: {  	[tilespmem:s14], [sflag:$0x1] =	stream.strided.gather @!p1 [hbm4b:s15+s16], $0x1000, s17, s16, $0x38;
	[tilespmem:$0x4040] =	vst v63  }
0x24: {  	p1 =	sge.u32 s31, s5  }
.Ltmp2:
0x25: {  	_ = 	snop;
	(pc) =	sbr.rel @p1 .LBB1_5-.Ltmp2, $1  }
0x26: {  	_ =	sdelay $0x3  }
0x27: {  	s14 =	simm.s32 $0x1  }
0x28: {  	_ =	swait.ge [sflag:s4], $0x1000;
	s14 =	simm.s32 @!p0 $0x0  }
0x29: {  	[sflag:s4] =	ssyncset.done $0x0;
	s15 =	sshll.u32 s14, $0xC  }
0x2a: {  	[sflag:s4] =	ssyncadd.s32 $0xFFFFF000;
	s18 =	sor.u32 $0x10, s15  }
0x2b: {  	s14 =	smul.u32 $0x4080, s14;
	v1 =	vld [tilespmem:s18+$0x0]  }
0x2c: {  	s30 =	sand.u32 $0x1, s11;
	v0 =	vld [tilespmem:s18+$0xFFFFFFF0]  }
0x2d: {  	s15 =	smul.u32 $0x4080, s30;
	s14 =	sshrl.u32 s14, $0x2  }
0x2e: {  	s16 =	sor.u32 $0x2000, s14  }
0x2f: {  	s31 =	sshrl.u32 s15, $0x2;
	s15 =	sadd.s32 $0x0, s16  }
0x30: {  	s17 =	simm.s32 $0x4;
	s18 =	sadd.s32 $0x20, s18;
	s14 =	sor.u32 $0x2000, s31;
	[tilespmem:s15+$0x810 ss:$0x81] =	vst.msk $0xffff, v1  }
.LBB1_3:
0x31: {  	v1 =	vld [tilespmem:s18+$0x0];
	p1 =	sne.s32 s17, $0x1FC;
	[tilespmem:s15+$0x0 ss:$0x81] =	vst.msk $0xffff, v0;
	s15 =	smov.u32 s17;
	s17 =	sadd.s32 $0x4, s17  }
.Ltmp3:
0x32: {  	v0 =	vld [tilespmem:s18+$0xFFFFFFF0];
	(pc) =	sbr.rel @p1 .LBB1_3-.Ltmp3, $4  }
0x33: {  	_ = 	snop  }
0x34: {  	s15 =	sshra.s32 s15, $0x2  }
0x35: {  	s15 =	sadd.s32 s15, s16  }
0x36: {  	s18 =	sadd.s32 $0x20, s18;
	[tilespmem:s15+$0x810 ss:$0x81] =	vst.msk $0xffff, v1  }
.Ltmp4:
0x37: {  	_ = 	snop;
	(pc) =	sbr.rel .LBB1_4-.Ltmp4, $1  }
0x38: {  	_ =	sdelay $0x3  }
.LBB1_6:
0x39: {  	_ =	sfence.sel $0x180000  }
0x3a: {  	s2 =	simm.s32 $0x1;
	[bflag:$0x0] =	sbarrier.arrive $0xFFFF  }
0x3b: {  	s31 =	simm.s32 $0x2;
	[sflag:s2] =	ssyncpa.u1 $0x1  }
0x3c: {  	[sflag:s31] =	ssyncpa.u1 $0x1  }
0x3d: {  	p0 =	sne.s32 s0, $0x0;
	_ =	strace $0x9000004A  }
0x3e: {  	s0 =	sadd.s32 @!p0 $0x100000, s1;
	[bflag:$0x2] =	sbarrier.arrive $0xFFFF  }
0x3f: {  	[sflag:s0] =	ssyncadd.tile.s32 @!p0 $0x1;
	_ =	shalt  }
.Lfunc_end1:
_tile_overlayer_lowered:
.L_overlay_start_2:
0x40: {  	(tag) =	ssettag $0x2  }
0x41: {  	s0 =	rddreg [dreg:$0x0];
	s2 =	stileid.u32  }
0x42: {  	s1 =	rddreg [dreg:$0x1];
	p0 =	sne.s32 s2, $0x0  }
0x43: {  	s3 =	rddreg [dreg:$0x2];
	[bflag:$0x3] =	sbarrier.arrive $0xFFFF;
	s2 =	simm.s32 @!p0 $0x1C01  }
0x44: {  	[timem:s3], [sflag:s2] =	dma.local @!p0 [hbm:s0], s1  }
0x45: {  	s0 =	simm.s32 @!p0 $0x1  }
0x46: {  	_ =	swait.ge @!p0 [sflag:s0], s1  }
0x47: {  	s1 =	ssub.s32 @!p0 $0x0, s1;
	[sflag:s0] =	ssyncset.done @!p0 $0x0  }
0x48: {  	[sflag:s0] =	ssyncadd.s32 @!p0 s1  }
0x49: {  	[bflag:$0x3] =	sbarrier.arrive $0xFFFF  }
0x4a: {  	_ =	shalt  }

</sc_bundles>
